<compile_context>
chip_gen: v7x
topology: tpu7x:2x2x1
jax: 0.10.2.dev20260603
libtpu: 0.0.44.dev20260713+nightly
codegen_flags: <defaults>
</compile_context>

<pallas_src>
import functools

import jax
import jax.numpy as jnp
from jax import lax
from jax.experimental import pallas as pl
from jax.experimental.pallas import tpu as pltpu
from jax.experimental.pallas import tpu_sc as plsc

N = 10000
NP = 10240
F = 128
E = 320000
NC = 2
NS = 16
NW = NC * NS
CHUNK = 128
NCHUNK = 79
EP = NW * NCHUNK * CHUNK
STRIPE = NP // NS

_mesh = plsc.VectorSubcoreMesh(core_axis_name="c", subcore_axis_name="s")


@functools.partial(
    pl.kernel,
    out_type=jax.ShapeDtypeStruct((NC, NP, F), jnp.float32),
    mesh=_mesh,
    scratch_types=[
        pltpu.VMEM((2, NCHUNK, CHUNK), jnp.int32),
        pltpu.VMEM((CHUNK, F), jnp.float32),
        pltpu.VMEM_SHARED((NP, F), jnp.float32),
    ],
)
def _deg_kernel(src_hbm, dst_hbm, ones_hbm, zeros128_hbm,
                deg_out, idx_v, ones_v, tab_sh):
    c = lax.axis_index("c")
    s = lax.axis_index("s")
    pltpu.sync_copy(zeros128_hbm, tab_sh.at[pl.ds(s * STRIPE, STRIPE)])
    pltpu.sync_copy(ones_hbm, ones_v)

    @pl.when(c == 0)
    def _():
        pltpu.sync_copy(src_hbm.at[pl.ds(2 * s, 2)], idx_v)

    @pl.when(c == 1)
    def _():
        pltpu.sync_copy(dst_hbm.at[pl.ds(2 * s, 2)], idx_v)

    plsc.subcore_barrier()

    def body(j, carry):
        pltpu.sync_copy(ones_v, tab_sh.at[idx_v.at[0, j]], add=True)
        pltpu.sync_copy(ones_v, tab_sh.at[idx_v.at[1, j]], add=True)
        return carry

    lax.fori_loop(0, NCHUNK, body, 0)
    plsc.subcore_barrier()
    pltpu.sync_copy(tab_sh.at[pl.ds(s * STRIPE, STRIPE)],
                    deg_out.at[c, pl.ds(s * STRIPE, STRIPE)])


@functools.partial(
    pl.kernel,
    out_type=jax.ShapeDtypeStruct((NC, NP, F), jnp.float32),
    mesh=_mesh,
    scratch_types=[
        pltpu.VMEM((NCHUNK, CHUNK), jnp.int32),
        pltpu.VMEM((NCHUNK, CHUNK), jnp.int32),
        pltpu.VMEM((CHUNK, F), jnp.float32),
        pltpu.VMEM_SHARED((NP, F), jnp.float32),
        pltpu.SemaphoreType.DMA,
    ],
)
def _mp_kernel(table_hbm, src_hbm, dst_hbm, zeros128_hbm,
               agg_out,
               src_v, dst_v, rows, acc_sh, sem):
    c = lax.axis_index("c")
    s = lax.axis_index("s")
    wid = s * NC + c
    pltpu.sync_copy(zeros128_hbm, acc_sh.at[pl.ds(s * STRIPE, STRIPE)])
    pltpu.sync_copy(src_hbm.at[wid], src_v)
    pltpu.sync_copy(dst_hbm.at[wid], dst_v)
    plsc.subcore_barrier()

    def body(j, carry):
        pltpu.async_copy(table_hbm.at[src_v.at[j]], rows, sem).wait()
        pltpu.sync_copy(rows, acc_sh.at[dst_v.at[j]], add=True)
        return carry

    lax.fori_loop(0, NCHUNK, body, 0)
    plsc.subcore_barrier()
    pltpu.sync_copy(acc_sh.at[pl.ds(s * STRIPE, STRIPE)],
                    agg_out.at[c, pl.ds(s * STRIPE, STRIPE)])


BR = 512


def _norm_body(d0_ref, d1_ref, ns_ref, nd_ref):
    dsrc = d0_ref[...]
    ddst = d1_ref[...]
    ns_ref[...] = lax.rsqrt(jnp.maximum(dsrc, 1.0))
    nd_ref[...] = lax.rsqrt(jnp.maximum(ddst, 1.0))


def _norms(dsrc, ddst):
    return pl.pallas_call(
        _norm_body,
        out_shape=(
            jax.ShapeDtypeStruct((NP, 1), jnp.float32),
            jax.ShapeDtypeStruct((NP, 1), jnp.float32),
        ),
    )(dsrc, ddst)


def _first_body(x_ref, w_ref, ns_ref, o_ref):
    o_ref[...] = jnp.dot(x_ref[...], w_ref[...],
                         preferred_element_type=jnp.float32) * ns_ref[...]


def _first_table(x, w, ns):
    return pl.pallas_call(
        _first_body,
        grid=(NP // BR,),
        in_specs=[
            pl.BlockSpec((BR, F), lambda i: (i, 0)),
            pl.BlockSpec((F, F), lambda i: (0, 0)),
            pl.BlockSpec((BR, 1), lambda i: (i, 0)),
        ],
        out_specs=pl.BlockSpec((BR, F), lambda i: (i, 0)),
        out_shape=jax.ShapeDtypeStruct((NP, F), jnp.float32),
    )(x, w, ns)


def _mid_body(a_ref, nd_ref, b_ref, w_ref, ns_ref, o_ref):
    h = (a_ref[0] + a_ref[1]) * nd_ref[...] + b_ref[...]
    h = jnp.maximum(h, 0.0)
    o_ref[...] = jnp.dot(h, w_ref[...],
                         preferred_element_type=jnp.float32) * ns_ref[...]


def _mid_table(agg, nd, b, w, ns):
    return pl.pallas_call(
        _mid_body,
        grid=(NP // BR,),
        in_specs=[
            pl.BlockSpec((NC, BR, F), lambda i: (0, i, 0)),
            pl.BlockSpec((BR, 1), lambda i: (i, 0)),
            pl.BlockSpec((1, F), lambda i: (0, 0)),
            pl.BlockSpec((F, F), lambda i: (0, 0)),
            pl.BlockSpec((BR, 1), lambda i: (i, 0)),
        ],
        out_specs=pl.BlockSpec((BR, F), lambda i: (i, 0)),
        out_shape=jax.ShapeDtypeStruct((NP, F), jnp.float32),
    )(agg, nd, b, w, ns)


def _final_body(a_ref, nd_ref, b_ref, o_ref):
    o_ref[...] = (a_ref[0] + a_ref[1]) * nd_ref[...] + b_ref[...]


def _final(agg, nd, b):
    return pl.pallas_call(
        _final_body,
        grid=(NP // BR,),
        in_specs=[
            pl.BlockSpec((NC, BR, F), lambda i: (0, i, 0)),
            pl.BlockSpec((BR, 1), lambda i: (i, 0)),
            pl.BlockSpec((1, F), lambda i: (0, 0)),
        ],
        out_specs=pl.BlockSpec((BR, F), lambda i: (i, 0)),
        out_shape=jax.ShapeDtypeStruct((NP, F), jnp.float32),
    )(agg, nd, b)


def kernel(features, edge_index, W1, b1, W2, b2, W3, b3):
    src = edge_index[0].astype(jnp.int32)
    dst = edge_index[1].astype(jnp.int32)
    padv = jnp.full((EP - E,), N, dtype=jnp.int32)
    src_p = jnp.concatenate([src, padv]).reshape(NW, NCHUNK, CHUNK)
    dst_p = jnp.concatenate([dst, padv]).reshape(NW, NCHUNK, CHUNK)
    x = jnp.zeros((NP, F), jnp.float32).at[:N].set(features)
    w3p = jnp.zeros((F, F), jnp.float32).at[:, : b3.shape[0]].set(W3)
    b3p = jnp.zeros((1, F), jnp.float32).at[0, : b3.shape[0]].set(b3)
    ones128 = jnp.ones((CHUNK, F), jnp.float32)
    zeros128 = jnp.zeros((STRIPE, F), jnp.float32)

    deg = _deg_kernel(src_p, dst_p, ones128, zeros128)
    dsrc = deg[0, :, :1]
    ddst = deg[1, :, :1]
    ns, nd = _norms(dsrc, ddst)

    t1 = _first_table(x, W1, ns)
    agg1 = _mp_kernel(t1, src_p, dst_p, zeros128)
    t2 = _mid_table(agg1, nd, b1.reshape(1, F), W2, ns)
    agg2 = _mp_kernel(t2, src_p, dst_p, zeros128)
    t3 = _mid_table(agg2, nd, b2.reshape(1, F), w3p, ns)
    agg3 = _mp_kernel(t3, src_p, dst_p, zeros128)

    out = _final(agg3, nd, b3p)
    return out[:N, : b3.shape[0]]

# --- scband reference (transcript-rebuilt; emitter-appended) ---
"""Pipeline reference for scband-gcn-23072564314867 (READ-ONLY COPY).

The authoritative reference and input builder live on the scoring server;
editing this copy changes nothing except your own understanding.
"""

import jax, jax.numpy as jnp
import numpy as np

N_NODES = 10000
N_EDGES = 320000
IN_FEATS = 128
N_HIDDEN = 128
N_CLASSES = 40


def setup_inputs(seed: int = 0) -> dict:
    key = jax.random.key(seed)
    k1, k2, k3, k4, k5 = jax.random.split(key, 5)
    features = jax.random.normal(k1, (N_NODES, IN_FEATS), dtype=jnp.float32)
    edge_index = jax.random.randint(k2, (2, N_EDGES), 0, N_NODES, dtype=jnp.int64)
    # Glorot-initialized layer weights (DGL GraphConv default) + zero biases
    def glorot(k, fan_in, fan_out):
        lim = np.sqrt(6.0 / (fan_in + fan_out))
        return jax.random.uniform(k, (fan_in, fan_out), dtype=jnp.float32, minval=-lim, maxval=lim)
    W1 = glorot(k3, IN_FEATS, N_HIDDEN)
    b1 = jnp.zeros((N_HIDDEN,), dtype=jnp.float32)
    W2 = glorot(k4, N_HIDDEN, N_HIDDEN)
    b2 = jnp.zeros((N_HIDDEN,), dtype=jnp.float32)
    W3 = glorot(k5, N_HIDDEN, N_CLASSES)
    b3 = jnp.zeros((N_CLASSES,), dtype=jnp.float32)
    return {"features": features, "edge_index": edge_index, "W1": W1, "b1": b1, "W2": W2, "b2": b2, "W3": W3, "b3": b3}


def _graph_conv(h, src, dst, norm_src, norm_dst, W, b, n_nodes, act):
    # DGL GraphConv, norm='both': out = D_dst^{-1/2} A D_src^{-1/2} (h W) + b
    h = h @ W
    m = h[src] * norm_src[src][:, None]
    agg = jax.ops.segment_sum(m, dst, num_segments=n_nodes)
    out = agg * norm_dst[:, None] + b
    if act is not None:
        out = act(out)
    return out


def reference(features, edge_index, W1, b1, W2, b2, W3, b3):
    n_nodes = features.shape[0]
    src = edge_index[0]
    dst = edge_index[1]
    deg_out = jnp.bincount(src, length=n_nodes).astype(jnp.float32)
    deg_in = jnp.bincount(dst, length=n_nodes).astype(jnp.float32)
    # allow_zero_in_degree=True -> clamp degrees to avoid div-by-zero
    norm_src = 1.0 / jnp.sqrt(jnp.maximum(deg_out, 1.0))
    norm_dst = 1.0 / jnp.sqrt(jnp.maximum(deg_in, 1.0))
    # eval-mode forward: dropout is identity
    h = _graph_conv(features, src, dst, norm_src, norm_dst, W1, b1, n_nodes, jax.nn.relu)
    h = _graph_conv(h, src, dst, norm_src, norm_dst, W2, b2, n_nodes, jax.nn.relu)
    h = _graph_conv(h, src, dst, norm_src, norm_dst, W3, b3, n_nodes, None)
    return h

if __name__ == "__main__":
    import jax
    _d = setup_inputs()
    print(jax.jit(kernel)(*tuple(_d.values())))

</pallas_src>

<mosaic_0001>
#map = affine_map<(d0, d1) -> (0, 0)>
#map1 = affine_map<(d0, d1) -> (0, 0, 0)>
module attributes {stable_mosaic.version = 14 : i64} {
  func.func @_mp_kernel(%arg0: i32, %arg1: i32, %arg2: memref<10240x128xf32, #tpu.memory_space<hbm>>, %arg3: memref<32x79x128xi32, #tpu.memory_space<hbm>>, %arg4: memref<32x79x128xi32, #tpu.memory_space<hbm>>, %arg5: memref<640x128xf32, #tpu.memory_space<hbm>>, %arg6: memref<2x10240x128xf32, #tpu.memory_space<hbm>>, %arg7: memref<79x128xi32, #tpu.memory_space<vmem>>, %arg8: memref<79x128xi32, #tpu.memory_space<vmem>>, %arg9: memref<128x128xf32, #tpu.memory_space<vmem>>, %arg10: memref<10240x128xf32, #tpu.memory_space<vmem_shared>>, %arg11: memref<!tpu.dma_semaphore, #tpu.memory_space<semaphore_mem>>) attributes {dimension_semantics = [#tpu.dimension_semantics<core_parallel>, #tpu.dimension_semantics<subcore_parallel>], iteration_bounds = array<i64: 2, 16>, scalar_prefetch = 0 : i64, scratch_operands = 5 : i64, tpu.core_type = #tpu.core_type<sc_vector_subcore>, window_params = [{transform_indices = #map}, {transform_indices = #map1}, {transform_indices = #map1}, {transform_indices = #map}, {transform_indices = #map1}]} {
    %mul3A = arith.constant 2 : i32
    %mul3A_0 = arith.muli %arg1, %mul3A : i32
    %add3A = arith.addi %mul3A_0, %arg0 : i32
    %mul3A_1 = arith.constant 640 : i32
    %mul3A_2 = arith.muli %arg1, %mul3A_1 : i32
    "tpu.region"() ({
      %run_scoped3A = tpu.sem_alloc : memref<!tpu.dma_semaphore, #tpu.memory_space<semaphore_mem>>
      %dma_start3A = arith.constant 0 : i32
      %dma_start3A_13 = tpu.memref_slice %arg10[%mul3A_2, %dma_start3A] : memref<10240x128xf32, #tpu.memory_space<vmem_shared>> -> memref<640x128xf32, #tpu.memory_space<vmem_shared>>
      tpu.enqueue_dma source(%arg5 : memref<640x128xf32, #tpu.memory_space<hbm>>) target(%dma_start3A_13 : memref<640x128xf32, #tpu.memory_space<vmem_shared>>) target_semaphore(%run_scoped3A : memref<!tpu.dma_semaphore, #tpu.memory_space<semaphore_mem>>)
      %dma_wait3A = arith.constant 0 : i32
      %dma_wait3A_14 = tpu.memref_slice %arg10[%mul3A_2, %dma_wait3A] : memref<10240x128xf32, #tpu.memory_space<vmem_shared>> -> memref<640x128xf32, #tpu.memory_space<vmem_shared>>
      tpu.wait_dma2 semaphore(%run_scoped3A : memref<!tpu.dma_semaphore, #tpu.memory_space<semaphore_mem>>) src(%arg5 : memref<640x128xf32, #tpu.memory_space<hbm>>) dst(%dma_wait3A_14 : memref<640x128xf32, #tpu.memory_space<vmem_shared>>)
      tpu.yield
    }) : () -> ()
    "tpu.region"() ({
      %run_scoped3A = tpu.sem_alloc : memref<!tpu.dma_semaphore, #tpu.memory_space<semaphore_mem>>
      %dma_start3A = arith.constant 0 : i32
      %dma_start3A_13 = arith.constant 0 : i32
      %dma_start3A_14 = tpu.memref_slice %arg3[%add3A, %dma_start3A, %dma_start3A_13] : memref<32x79x128xi32, #tpu.memory_space<hbm>> -> memref<1x79x128xi32, #tpu.memory_space<hbm>>
      %dma_start3A_15 = tpu.memref_squeeze %dma_start3A_14 : memref<1x79x128xi32, #tpu.memory_space<hbm>> -> memref<79x128xi32, #tpu.memory_space<hbm>>
      %dma_start3A_16 = arith.constant 0 : i32
      %dma_start3A_17 = arith.constant 0 : i32
      %dma_start3A_18 = tpu.memref_slice %arg3[%add3A, %dma_start3A_16, %dma_start3A_17] : memref<32x79x128xi32, #tpu.memory_space<hbm>> -> memref<1x79x128xi32, #tpu.memory_space<hbm>>
      %dma_start3A_19 = tpu.memref_squeeze %dma_start3A_18 : memref<1x79x128xi32, #tpu.memory_space<hbm>> -> memref<79x128xi32, #tpu.memory_space<hbm>>
      tpu.enqueue_dma source(%dma_start3A_19 : memref<79x128xi32, #tpu.memory_space<hbm>>) target(%arg7 : memref<79x128xi32, #tpu.memory_space<vmem>>) target_semaphore(%run_scoped3A : memref<!tpu.dma_semaphore, #tpu.memory_space<semaphore_mem>>)
      %dma_wait3A = arith.constant 0 : i32
      %dma_wait3A_20 = arith.constant 0 : i32
      %dma_wait3A_21 = tpu.memref_slice %arg3[%add3A, %dma_wait3A, %dma_wait3A_20] : memref<32x79x128xi32, #tpu.memory_space<hbm>> -> memref<1x79x128xi32, #tpu.memory_space<hbm>>
      %dma_wait3A_22 = tpu.memref_squeeze %dma_wait3A_21 : memref<1x79x128xi32, #tpu.memory_space<hbm>> -> memref<79x128xi32, #tpu.memory_space<hbm>>
      %dma_wait3A_23 = arith.constant 0 : i32
      %dma_wait3A_24 = arith.constant 0 : i32
      %dma_wait3A_25 = tpu.memref_slice %arg3[%add3A, %dma_wait3A_23, %dma_wait3A_24] : memref<32x79x128xi32, #tpu.memory_space<hbm>> -> memref<1x79x128xi32, #tpu.memory_space<hbm>>
      %dma_wait3A_26 = tpu.memref_squeeze %dma_wait3A_25 : memref<1x79x128xi32, #tpu.memory_space<hbm>> -> memref<79x128xi32, #tpu.memory_space<hbm>>
      tpu.wait_dma2 semaphore(%run_scoped3A : memref<!tpu.dma_semaphore, #tpu.memory_space<semaphore_mem>>) src(%dma_wait3A_26 : memref<79x128xi32, #tpu.memory_space<hbm>>) dst(%arg7 : memref<79x128xi32, #tpu.memory_space<vmem>>)
      tpu.yield
    }) : () -> ()
    "tpu.region"() ({
      %run_scoped3A = tpu.sem_alloc : memref<!tpu.dma_semaphore, #tpu.memory_space<semaphore_mem>>
      %dma_start3A = arith.constant 0 : i32
      %dma_start3A_13 = arith.constant 0 : i32
      %dma_start3A_14 = tpu.memref_slice %arg4[%add3A, %dma_start3A, %dma_start3A_13] : memref<32x79x128xi32, #tpu.memory_space<hbm>> -> memref<1x79x128xi32, #tpu.memory_space<hbm>>
      %dma_start3A_15 = tpu.memref_squeeze %dma_start3A_14 : memref<1x79x128xi32, #tpu.memory_space<hbm>> -> memref<79x128xi32, #tpu.memory_space<hbm>>
      %dma_start3A_16 = arith.constant 0 : i32
      %dma_start3A_17 = arith.constant 0 : i32
      %dma_start3A_18 = tpu.memref_slice %arg4[%add3A, %dma_start3A_16, %dma_start3A_17] : memref<32x79x128xi32, #tpu.memory_space<hbm>> -> memref<1x79x128xi32, #tpu.memory_space<hbm>>
      %dma_start3A_19 = tpu.memref_squeeze %dma_start3A_18 : memref<1x79x128xi32, #tpu.memory_space<hbm>> -> memref<79x128xi32, #tpu.memory_space<hbm>>
      tpu.enqueue_dma source(%dma_start3A_19 : memref<79x128xi32, #tpu.memory_space<hbm>>) target(%arg8 : memref<79x128xi32, #tpu.memory_space<vmem>>) target_semaphore(%run_scoped3A : memref<!tpu.dma_semaphore, #tpu.memory_space<semaphore_mem>>)
      %dma_wait3A = arith.constant 0 : i32
      %dma_wait3A_20 = arith.constant 0 : i32
      %dma_wait3A_21 = tpu.memref_slice %arg4[%add3A, %dma_wait3A, %dma_wait3A_20] : memref<32x79x128xi32, #tpu.memory_space<hbm>> -> memref<1x79x128xi32, #tpu.memory_space<hbm>>
      %dma_wait3A_22 = tpu.memref_squeeze %dma_wait3A_21 : memref<1x79x128xi32, #tpu.memory_space<hbm>> -> memref<79x128xi32, #tpu.memory_space<hbm>>
      %dma_wait3A_23 = arith.constant 0 : i32
      %dma_wait3A_24 = arith.constant 0 : i32
      %dma_wait3A_25 = tpu.memref_slice %arg4[%add3A, %dma_wait3A_23, %dma_wait3A_24] : memref<32x79x128xi32, #tpu.memory_space<hbm>> -> memref<1x79x128xi32, #tpu.memory_space<hbm>>
      %dma_wait3A_26 = tpu.memref_squeeze %dma_wait3A_25 : memref<1x79x128xi32, #tpu.memory_space<hbm>> -> memref<79x128xi32, #tpu.memory_space<hbm>>
      tpu.wait_dma2 semaphore(%run_scoped3A : memref<!tpu.dma_semaphore, #tpu.memory_space<semaphore_mem>>) src(%dma_wait3A_26 : memref<79x128xi32, #tpu.memory_space<hbm>>) dst(%arg8 : memref<79x128xi32, #tpu.memory_space<vmem>>)
      tpu.yield
    }) : () -> ()
    %barrier3A = arith.constant 0 : index
    tpu.barrier barrier_id(%barrier3A)
    %scan3A = arith.constant 0 : i32
    %scan3A_3 = arith.constant 0 : i32
    %scan3A_4 = arith.constant 79 : i32
    %scan3A_5 = arith.addi %scan3A_3, %scan3A_4 : i32
    %scan3A_6 = arith.constant 1 : i32
    scf.for %scan3A_13 = %scan3A_3 to %scan3A_5 step %scan3A_6  : i32 {
      %dma_start3A = arith.constant 0 : i32
      %dma_start3A_14 = tpu.memref_slice %arg7[%scan3A_13, %dma_start3A] : memref<79x128xi32, #tpu.memory_space<vmem>> -> memref<1x128xi32, #tpu.memory_space<vmem>>
      %dma_start3A_15 = tpu.memref_squeeze %dma_start3A_14 : memref<1x128xi32, #tpu.memory_space<vmem>> -> memref<128xi32, #tpu.memory_space<vmem>>
      %dma_start3A_16 = arith.constant 0 : i32
      %dma_start3A_17 = arith.constant 0 : i32
      %dma_start3A_18 = tpu.memref_slice %arg2[%dma_start3A_16, %dma_start3A_17] : memref<10240x128xf32, #tpu.memory_space<hbm>> -> memref<10240x128xf32, #tpu.memory_space<hbm>>
      tpu.enqueue_indirect_dma source(%dma_start3A_18 : memref<10240x128xf32, #tpu.memory_space<hbm>>) target(%arg9 : memref<128x128xf32, #tpu.memory_space<vmem>>) offsets(%dma_start3A_15 : memref<128xi32, #tpu.memory_space<vmem>>) semaphore(%arg11 : memref<!tpu.dma_semaphore, #tpu.memory_space<semaphore_mem>>)
      %dma_wait3A = arith.constant 0 : i32
      %dma_wait3A_19 = tpu.memref_slice %arg7[%scan3A_13, %dma_wait3A] : memref<79x128xi32, #tpu.memory_space<vmem>> -> memref<1x128xi32, #tpu.memory_space<vmem>>
      %dma_wait3A_20 = tpu.memref_squeeze %dma_wait3A_19 : memref<1x128xi32, #tpu.memory_space<vmem>> -> memref<128xi32, #tpu.memory_space<vmem>>
      %dma_wait3A_21 = arith.constant 0 : i32
      %dma_wait3A_22 = arith.constant 0 : i32
      %dma_wait3A_23 = tpu.memref_slice %arg2[%dma_wait3A_21, %dma_wait3A_22] : memref<10240x128xf32, #tpu.memory_space<hbm>> -> memref<10240x128xf32, #tpu.memory_space<hbm>>
      tpu.wait_indirect_dma semaphore(%arg11 : memref<!tpu.dma_semaphore, #tpu.memory_space<semaphore_mem>>) src(%dma_wait3A_23 : memref<10240x128xf32, #tpu.memory_space<hbm>>) dst(%arg9 : memref<128x128xf32, #tpu.memory_space<vmem>>)
      "tpu.region"() ({
        %run_scoped3A = tpu.sem_alloc : memref<!tpu.dma_semaphore, #tpu.memory_space<semaphore_mem>>
        %dma_start3A_24 = arith.constant 0 : i32
        %dma_start3A_25 = tpu.memref_slice %arg8[%scan3A_13, %dma_start3A_24] : memref<79x128xi32, #tpu.memory_space<vmem>> -> memref<1x128xi32, #tpu.memory_space<vmem>>
        %dma_start3A_26 = tpu.memref_squeeze %dma_start3A_25 : memref<1x128xi32, #tpu.memory_space<vmem>> -> memref<128xi32, #tpu.memory_space<vmem>>
        %dma_start3A_27 = arith.constant 0 : i32
        %dma_start3A_28 = arith.constant 0 : i32
        %dma_start3A_29 = tpu.memref_slice %arg10[%dma_start3A_27, %dma_start3A_28] : memref<10240x128xf32, #tpu.memory_space<vmem_shared>> -> memref<10240x128xf32, #tpu.memory_space<vmem_shared>>
        tpu.enqueue_indirect_dma source(%arg9 : memref<128x128xf32, #tpu.memory_space<vmem>>) target(%dma_start3A_29 : memref<10240x128xf32, #tpu.memory_space<vmem_shared>>) offsets(%dma_start3A_26 : memref<128xi32, #tpu.memory_space<vmem>>) semaphore(%run_scoped3A : memref<!tpu.dma_semaphore, #tpu.memory_space<semaphore_mem>>) {add = true}
        %dma_wait3A_30 = arith.constant 0 : i32
        %dma_wait3A_31 = tpu.memref_slice %arg8[%scan3A_13, %dma_wait3A_30] : memref<79x128xi32, #tpu.memory_space<vmem>> -> memref<1x128xi32, #tpu.memory_space<vmem>>
        %dma_wait3A_32 = tpu.memref_squeeze %dma_wait3A_31 : memref<1x128xi32, #tpu.memory_space<vmem>> -> memref<128xi32, #tpu.memory_space<vmem>>
        %dma_wait3A_33 = arith.constant 0 : i32
        %dma_wait3A_34 = arith.constant 0 : i32
        %dma_wait3A_35 = tpu.memref_slice %arg10[%dma_wait3A_33, %dma_wait3A_34] : memref<10240x128xf32, #tpu.memory_space<vmem_shared>> -> memref<10240x128xf32, #tpu.memory_space<vmem_shared>>
        tpu.wait_indirect_dma semaphore(%run_scoped3A : memref<!tpu.dma_semaphore, #tpu.memory_space<semaphore_mem>>) src(%arg9 : memref<128x128xf32, #tpu.memory_space<vmem>>) dst(%dma_wait3A_35 : memref<10240x128xf32, #tpu.memory_space<vmem_shared>>)
        tpu.yield
      }) : () -> ()
    }
    %scan3A_7 = arith.constant 79 : i32
    %barrier3A_8 = arith.constant 0 : index
    tpu.barrier barrier_id(%barrier3A_8)
    %mul3A_9 = arith.constant 640 : i32
    %mul3A_10 = arith.muli %arg1, %mul3A_9 : i32
    %mul3A_11 = arith.constant 640 : i32
    %mul3A_12 = arith.muli %arg1, %mul3A_11 : i32
    "tpu.region"() ({
      %run_scoped3A = tpu.sem_alloc : memref<!tpu.dma_semaphore, #tpu.memory_space<semaphore_mem>>
      %dma_start3A = arith.constant 0 : i32
      %dma_start3A_13 = tpu.memref_slice %arg6[%arg0, %mul3A_12, %dma_start3A] : memref<2x10240x128xf32, #tpu.memory_space<hbm>> -> memref<1x640x128xf32, #tpu.memory_space<hbm>>
      %dma_start3A_14 = tpu.memref_squeeze %dma_start3A_13 : memref<1x640x128xf32, #tpu.memory_space<hbm>> -> memref<640x128xf32, #tpu.memory_space<hbm>>
      %dma_start3A_15 = arith.constant 0 : i32
      %dma_start3A_16 = tpu.memref_slice %arg10[%mul3A_10, %dma_start3A_15] : memref<10240x128xf32, #tpu.memory_space<vmem_shared>> -> memref<640x128xf32, #tpu.memory_space<vmem_shared>>
      tpu.enqueue_dma source(%dma_start3A_16 : memref<640x128xf32, #tpu.memory_space<vmem_shared>>) target(%dma_start3A_14 : memref<640x128xf32, #tpu.memory_space<hbm>>) target_semaphore(%run_scoped3A : memref<!tpu.dma_semaphore, #tpu.memory_space<semaphore_mem>>)
      %dma_wait3A = arith.constant 0 : i32
      %dma_wait3A_17 = tpu.memref_slice %arg6[%arg0, %mul3A_12, %dma_wait3A] : memref<2x10240x128xf32, #tpu.memory_space<hbm>> -> memref<1x640x128xf32, #tpu.memory_space<hbm>>
      %dma_wait3A_18 = tpu.memref_squeeze %dma_wait3A_17 : memref<1x640x128xf32, #tpu.memory_space<hbm>> -> memref<640x128xf32, #tpu.memory_space<hbm>>
      %dma_wait3A_19 = arith.constant 0 : i32
      %dma_wait3A_20 = tpu.memref_slice %arg10[%mul3A_10, %dma_wait3A_19] : memref<10240x128xf32, #tpu.memory_space<vmem_shared>> -> memref<640x128xf32, #tpu.memory_space<vmem_shared>>
      tpu.wait_dma2 semaphore(%run_scoped3A : memref<!tpu.dma_semaphore, #tpu.memory_space<semaphore_mem>>) src(%dma_wait3A_20 : memref<640x128xf32, #tpu.memory_space<vmem_shared>>) dst(%dma_wait3A_18 : memref<640x128xf32, #tpu.memory_space<hbm>>)
      tpu.yield
    }) : () -> ()
    return
  }
}

#map = affine_map<(d0, d1) -> (0, 0)>
#map1 = affine_map<(d0, d1) -> (0, 0, 0)>
module attributes {stable_mosaic.version = 14 : i64} {
  func.func @_mp_kernel(%arg0: i32, %arg1: i32, %arg2: memref<10240x128xf32, #tpu.memory_space<hbm>>, %arg3: memref<32x79x128xi32, #tpu.memory_space<hbm>>, %arg4: memref<32x79x128xi32, #tpu.memory_space<hbm>>, %arg5: memref<640x128xf32, #tpu.memory_space<hbm>>, %arg6: memref<2x10240x128xf32, #tpu.memory_space<hbm>>, %arg7: memref<79x128xi32, #tpu.memory_space<vmem>>, %arg8: memref<79x128xi32, #tpu.memory_space<vmem>>, %arg9: memref<128x128xf32, #tpu.memory_space<vmem>>, %arg10: memref<10240x128xf32, #tpu.memory_space<vmem_shared>>, %arg11: memref<!tpu.dma_semaphore, #tpu.memory_space<semaphore_mem>>) attributes {dimension_semantics = [#tpu.dimension_semantics<core_parallel>, #tpu.dimension_semantics<subcore_parallel>], iteration_bounds = array<i64: 2, 16>, scalar_prefetch = 0 : i64, scratch_operands = 5 : i64, tpu.core_type = #tpu.core_type<sc_vector_subcore>, window_params = [{transform_indices = #map}, {transform_indices = #map1}, {transform_indices = #map1}, {transform_indices = #map}, {transform_indices = #map1}]} {
    %mul3A = arith.constant 2 : i32
    %mul3A_0 = arith.muli %arg1, %mul3A : i32
    %add3A = arith.addi %mul3A_0, %arg0 : i32
    %mul3A_1 = arith.constant 640 : i32
    %mul3A_2 = arith.muli %arg1, %mul3A_1 : i32
    "tpu.region"() ({
      %run_scoped3A = tpu.sem_alloc : memref<!tpu.dma_semaphore, #tpu.memory_space<semaphore_mem>>
      %dma_start3A = arith.constant 0 : i32
      %dma_start3A_13 = tpu.memref_slice %arg10[%mul3A_2, %dma_start3A] : memref<10240x128xf32, #tpu.memory_space<vmem_shared>> -> memref<640x128xf32, #tpu.memory_space<vmem_shared>>
      tpu.enqueue_dma source(%arg5 : memref<640x128xf32, #tpu.memory_space<hbm>>) target(%dma_start3A_13 : memref<640x128xf32, #tpu.memory_space<vmem_shared>>) target_semaphore(%run_scoped3A : memref<!tpu.dma_semaphore, #tpu.memory_space<semaphore_mem>>)
      %dma_wait3A = arith.constant 0 : i32
      %dma_wait3A_14 = tpu.memref_slice %arg10[%mul3A_2, %dma_wait3A] : memref<10240x128xf32, #tpu.memory_space<vmem_shared>> -> memref<640x128xf32, #tpu.memory_space<vmem_shared>>
      tpu.wait_dma2 semaphore(%run_scoped3A : memref<!tpu.dma_semaphore, #tpu.memory_space<semaphore_mem>>) src(%arg5 : memref<640x128xf32, #tpu.memory_space<hbm>>) dst(%dma_wait3A_14 : memref<640x128xf32, #tpu.memory_space<vmem_shared>>)
      tpu.yield
    }) : () -> ()
    "tpu.region"() ({
      %run_scoped3A = tpu.sem_alloc : memref<!tpu.dma_semaphore, #tpu.memory_space<semaphore_mem>>
      %dma_start3A = arith.constant 0 : i32
      %dma_start3A_13 = arith.constant 0 : i32
      %dma_start3A_14 = tpu.memref_slice %arg3[%add3A, %dma_start3A, %dma_start3A_13] : memref<32x79x128xi32, #tpu.memory_space<hbm>> -> memref<1x79x128xi32, #tpu.memory_space<hbm>>
      %dma_start3A_15 = tpu.memref_squeeze %dma_start3A_14 : memref<1x79x128xi32, #tpu.memory_space<hbm>> -> memref<79x128xi32, #tpu.memory_space<hbm>>
      %dma_start3A_16 = arith.constant 0 : i32
      %dma_start3A_17 = arith.constant 0 : i32
      %dma_start3A_18 = tpu.memref_slice %arg3[%add3A, %dma_start3A_16, %dma_start3A_17] : memref<32x79x128xi32, #tpu.memory_space<hbm>> -> memref<1x79x128xi32, #tpu.memory_space<hbm>>
      %dma_start3A_19 = tpu.memref_squeeze %dma_start3A_18 : memref<1x79x128xi32, #tpu.memory_space<hbm>> -> memref<79x128xi32, #tpu.memory_space<hbm>>
      tpu.enqueue_dma source(%dma_start3A_19 : memref<79x128xi32, #tpu.memory_space<hbm>>) target(%arg7 : memref<79x128xi32, #tpu.memory_space<vmem>>) target_semaphore(%run_scoped3A : memref<!tpu.dma_semaphore, #tpu.memory_space<semaphore_mem>>)
      %dma_wait3A = arith.constant 0 : i32
      %dma_wait3A_20 = arith.constant 0 : i32
      %dma_wait3A_21 = tpu.memref_slice %arg3[%add3A, %dma_wait3A, %dma_wait3A_20] : memref<32x79x128xi32, #tpu.memory_space<hbm>> -> memref<1x79x128xi32, #tpu.memory_space<hbm>>
      %dma_wait3A_22 = tpu.memref_squeeze %dma_wait3A_21 : memref<1x79x128xi32, #tpu.memory_space<hbm>> -> memref<79x128xi32, #tpu.memory_space<hbm>>
      %dma_wait3A_23 = arith.constant 0 : i32
      %dma_wait3A_24 = arith.constant 0 : i32
      %dma_wait3A_25 = tpu.memref_slice %arg3[%add3A, %dma_wait3A_23, %dma_wait3A_24] : memref<32x79x128xi32, #tpu.memory_space<hbm>> -> memref<1x79x128xi32, #tpu.memory_space<hbm>>
      %dma_wait3A_26 = tpu.memref_squeeze %dma_wait3A_25 : memref<1x79x128xi32, #tpu.memory_space<hbm>> -> memref<79x128xi32, #tpu.memory_space<hbm>>
      tpu.wait_dma2 semaphore(%run_scoped3A : memref<!tpu.dma_semaphore, #tpu.memory_space<semaphore_mem>>) src(%dma_wait3A_26 : memref<79x128xi32, #tpu.memory_space<hbm>>) dst(%arg7 : memref<79x128xi32, #tpu.memory_space<vmem>>)
      tpu.yield
    }) : () -> ()
    "tpu.region"() ({
      %run_scoped3A = tpu.sem_alloc : memref<!tpu.dma_semaphore, #tpu.memory_space<semaphore_mem>>
      %dma_start3A = arith.constant 0 : i32
      %dma_start3A_13 = arith.constant 0 : i32
      %dma_start3A_14 = tpu.memref_slice %arg4[%add3A, %dma_start3A, %dma_start3A_13] : memref<32x79x128xi32, #tpu.memory_space<hbm>> -> memref<1x79x128xi32, #tpu.memory_space<hbm>>
      %dma_start3A_15 = tpu.memref_squeeze %dma_start3A_14 : memref<1x79x128xi32, #tpu.memory_space<hbm>> -> memref<79x128xi32, #tpu.memory_space<hbm>>
      %dma_start3A_16 = arith.constant 0 : i32
      %dma_start3A_17 = arith.constant 0 : i32
      %dma_start3A_18 = tpu.memref_slice %arg4[%add3A, %dma_start3A_16, %dma_start3A_17] : memref<32x79x128xi32, #tpu.memory_space<hbm>> -> memref<1x79x128xi32, #tpu.memory_space<hbm>>
      %dma_start3A_19 = tpu.memref_squeeze %dma_start3A_18 : memref<1x79x128xi32, #tpu.memory_space<hbm>> -> memref<79x128xi32, #tpu.memory_space<hbm>>
      tpu.enqueue_dma source(%dma_start3A_19 : memref<79x128xi32, #tpu.memory_space<hbm>>) target(%arg8 : memref<79x128xi32, #tpu.memory_space<vmem>>) target_semaphore(%run_scoped3A : memref<!tpu.dma_semaphore, #tpu.memory_space<semaphore_mem>>)
      %dma_wait3A = arith.constant 0 : i32
      %dma_wait3A_20 = arith.constant 0 : i32
      %dma_wait3A_21 = tpu.memref_slice %arg4[%add3A, %dma_wait3A, %dma_wait3A_20] : memref<32x79x128xi32, #tpu.memory_space<hbm>> -> memref<1x79x128xi32, #tpu.memory_space<hbm>>
      %dma_wait3A_22 = tpu.memref_squeeze %dma_wait3A_21 : memref<1x79x128xi32, #tpu.memory_space<hbm>> -> memref<79x128xi32, #tpu.memory_space<hbm>>
      %dma_wait3A_23 = arith.constant 0 : i32
      %dma_wait3A_24 = arith.constant 0 : i32
      %dma_wait3A_25 = tpu.memref_slice %arg4[%add3A, %dma_wait3A_23, %dma_wait3A_24] : memref<32x79x128xi32, #tpu.memory_space<hbm>> -> memref<1x79x128xi32, #tpu.memory_space<hbm>>
      %dma_wait3A_26 = tpu.memref_squeeze %dma_wait3A_25 : memref<1x79x128xi32, #tpu.memory_space<hbm>> -> memref<79x128xi32, #tpu.memory_space<hbm>>
      tpu.wait_dma2 semaphore(%run_scoped3A : memref<!tpu.dma_semaphore, #tpu.memory_space<semaphore_mem>>) src(%dma_wait3A_26 : memref<79x128xi32, #tpu.memory_space<hbm>>) dst(%arg8 : memref<79x128xi32, #tpu.memory_space<vmem>>)
      tpu.yield
    }) : () -> ()
    %barrier3A = arith.constant 0 : index
    tpu.barrier barrier_id(%barrier3A)
    %scan3A = arith.constant 0 : i32
    %scan3A_3 = arith.constant 0 : i32
    %scan3A_4 = arith.constant 79 : i32
    %scan3A_5 = arith.addi %scan3A_3, %scan3A_4 : i32
    %scan3A_6 = arith.constant 1 : i32
    scf.for %scan3A_13 = %scan3A_3 to %scan3A_5 step %scan3A_6  : i32 {
      %dma_start3A = arith.constant 0 : i32
      %dma_start3A_14 = tpu.memref_slice %arg7[%scan3A_13, %dma_start3A] : memref<79x128xi32, #tpu.memory_space<vmem>> -> memref<1x128xi32, #tpu.memory_space<vmem>>
      %dma_start3A_15 = tpu.memref_squeeze %dma_start3A_14 : memref<1x128xi32, #tpu.memory_space<vmem>> -> memref<128xi32, #tpu.memory_space<vmem>>
      %dma_start3A_16 = arith.constant 0 : i32
      %dma_start3A_17 = arith.constant 0 : i32
      %dma_start3A_18 = tpu.memref_slice %arg2[%dma_start3A_16, %dma_start3A_17] : memref<10240x128xf32, #tpu.memory_space<hbm>> -> memref<10240x128xf32, #tpu.memory_space<hbm>>
      tpu.enqueue_indirect_dma source(%dma_start3A_18 : memref<10240x128xf32, #tpu.memory_space<hbm>>) target(%arg9 : memref<128x128xf32, #tpu.memory_space<vmem>>) offsets(%dma_start3A_15 : memref<128xi32, #tpu.memory_space<vmem>>) semaphore(%arg11 : memref<!tpu.dma_semaphore, #tpu.memory_space<semaphore_mem>>)
      %dma_wait3A = arith.constant 0 : i32
      %dma_wait3A_19 = tpu.memref_slice %arg7[%scan3A_13, %dma_wait3A] : memref<79x128xi32, #tpu.memory_space<vmem>> -> memref<1x128xi32, #tpu.memory_space<vmem>>
      %dma_wait3A_20 = tpu.memref_squeeze %dma_wait3A_19 : memref<1x128xi32, #tpu.memory_space<vmem>> -> memref<128xi32, #tpu.memory_space<vmem>>
      %dma_wait3A_21 = arith.constant 0 : i32
      %dma_wait3A_22 = arith.constant 0 : i32
      %dma_wait3A_23 = tpu.memref_slice %arg2[%dma_wait3A_21, %dma_wait3A_22] : memref<10240x128xf32, #tpu.memory_space<hbm>> -> memref<10240x128xf32, #tpu.memory_space<hbm>>
      tpu.wait_indirect_dma semaphore(%arg11 : memref<!tpu.dma_semaphore, #tpu.memory_space<semaphore_mem>>) src(%dma_wait3A_23 : memref<10240x128xf32, #tpu.memory_space<hbm>>) dst(%arg9 : memref<128x128xf32, #tpu.memory_space<vmem>>)
      "tpu.region"() ({
        %run_scoped3A = tpu.sem_alloc : memref<!tpu.dma_semaphore, #tpu.memory_space<semaphore_mem>>
        %dma_start3A_24 = arith.constant 0 : i32
        %dma_start3A_25 = tpu.memref_slice %arg8[%scan3A_13, %dma_start3A_24] : memref<79x128xi32, #tpu.memory_space<vmem>> -> memref<1x128xi32, #tpu.memory_space<vmem>>
        %dma_start3A_26 = tpu.memref_squeeze %dma_start3A_25 : memref<1x128xi32, #tpu.memory_space<vmem>> -> memref<128xi32, #tpu.memory_space<vmem>>
        %dma_start3A_27 = arith.constant 0 : i32
        %dma_start3A_28 = arith.constant 0 : i32
        %dma_start3A_29 = tpu.memref_slice %arg10[%dma_start3A_27, %dma_start3A_28] : memref<10240x128xf32, #tpu.memory_space<vmem_shared>> -> memref<10240x128xf32, #tpu.memory_space<vmem_shared>>
        tpu.enqueue_indirect_dma source(%arg9 : memref<128x128xf32, #tpu.memory_space<vmem>>) target(%dma_start3A_29 : memref<10240x128xf32, #tpu.memory_space<vmem_shared>>) offsets(%dma_start3A_26 : memref<128xi32, #tpu.memory_space<vmem>>) semaphore(%run_scoped3A : memref<!tpu.dma_semaphore, #tpu.memory_space<semaphore_mem>>) {add = true}
        %dma_wait3A_30 = arith.constant 0 : i32
        %dma_wait3A_31 = tpu.memref_slice %arg8[%scan3A_13, %dma_wait3A_30] : memref<79x128xi32, #tpu.memory_space<vmem>> -> memref<1x128xi32, #tpu.memory_space<vmem>>
        %dma_wait3A_32 = tpu.memref_squeeze %dma_wait3A_31 : memref<1x128xi32, #tpu.memory_space<vmem>> -> memref<128xi32, #tpu.memory_space<vmem>>
        %dma_wait3A_33 = arith.constant 0 : i32
        %dma_wait3A_34 = arith.constant 0 : i32
        %dma_wait3A_35 = tpu.memref_slice %arg10[%dma_wait3A_33, %dma_wait3A_34] : memref<10240x128xf32, #tpu.memory_space<vmem_shared>> -> memref<10240x128xf32, #tpu.memory_space<vmem_shared>>
        tpu.wait_indirect_dma semaphore(%run_scoped3A : memref<!tpu.dma_semaphore, #tpu.memory_space<semaphore_mem>>) src(%arg9 : memref<128x128xf32, #tpu.memory_space<vmem>>) dst(%dma_wait3A_35 : memref<10240x128xf32, #tpu.memory_space<vmem_shared>>)
        tpu.yield
      }) : () -> ()
    }
    %scan3A_7 = arith.constant 79 : i32
    %barrier3A_8 = arith.constant 0 : index
    tpu.barrier barrier_id(%barrier3A_8)
    %mul3A_9 = arith.constant 640 : i32
    %mul3A_10 = arith.muli %arg1, %mul3A_9 : i32
    %mul3A_11 = arith.constant 640 : i32
    %mul3A_12 = arith.muli %arg1, %mul3A_11 : i32
    "tpu.region"() ({
      %run_scoped3A = tpu.sem_alloc : memref<!tpu.dma_semaphore, #tpu.memory_space<semaphore_mem>>
      %dma_start3A = arith.constant 0 : i32
      %dma_start3A_13 = tpu.memref_slice %arg6[%arg0, %mul3A_12, %dma_start3A] : memref<2x10240x128xf32, #tpu.memory_space<hbm>> -> memref<1x640x128xf32, #tpu.memory_space<hbm>>
      %dma_start3A_14 = tpu.memref_squeeze %dma_start3A_13 : memref<1x640x128xf32, #tpu.memory_space<hbm>> -> memref<640x128xf32, #tpu.memory_space<hbm>>
      %dma_start3A_15 = arith.constant 0 : i32
      %dma_start3A_16 = tpu.memref_slice %arg10[%mul3A_10, %dma_start3A_15] : memref<10240x128xf32, #tpu.memory_space<vmem_shared>> -> memref<640x128xf32, #tpu.memory_space<vmem_shared>>
      tpu.enqueue_dma source(%dma_start3A_16 : memref<640x128xf32, #tpu.memory_space<vmem_shared>>) target(%dma_start3A_14 : memref<640x128xf32, #tpu.memory_space<hbm>>) target_semaphore(%run_scoped3A : memref<!tpu.dma_semaphore, #tpu.memory_space<semaphore_mem>>)
      %dma_wait3A = arith.constant 0 : i32
      %dma_wait3A_17 = tpu.memref_slice %arg6[%arg0, %mul3A_12, %dma_wait3A] : memref<2x10240x128xf32, #tpu.memory_space<hbm>> -> memref<1x640x128xf32, #tpu.memory_space<hbm>>
      %dma_wait3A_18 = tpu.memref_squeeze %dma_wait3A_17 : memref<1x640x128xf32, #tpu.memory_space<hbm>> -> memref<640x128xf32, #tpu.memory_space<hbm>>
      %dma_wait3A_19 = arith.constant 0 : i32
      %dma_wait3A_20 = tpu.memref_slice %arg10[%mul3A_10, %dma_wait3A_19] : memref<10240x128xf32, #tpu.memory_space<vmem_shared>> -> memref<640x128xf32, #tpu.memory_space<vmem_shared>>
      tpu.wait_dma2 semaphore(%run_scoped3A : memref<!tpu.dma_semaphore, #tpu.memory_space<semaphore_mem>>) src(%dma_wait3A_20 : memref<640x128xf32, #tpu.memory_space<vmem_shared>>) dst(%dma_wait3A_18 : memref<640x128xf32, #tpu.memory_space<hbm>>)
      tpu.yield
    }) : () -> ()
    return
  }
}

#map = affine_map<(d0, d1) -> (0, 0, 0)>
#map1 = affine_map<(d0, d1) -> (0, 0)>
module attributes {stable_mosaic.version = 14 : i64} {
  func.func @_deg_kernel(%arg0: i32, %arg1: i32, %arg2: memref<32x79x128xi32, #tpu.memory_space<hbm>>, %arg3: memref<32x79x128xi32, #tpu.memory_space<hbm>>, %arg4: memref<128x128xf32, #tpu.memory_space<hbm>>, %arg5: memref<640x128xf32, #tpu.memory_space<hbm>>, %arg6: memref<2x10240x128xf32, #tpu.memory_space<hbm>>, %arg7: memref<2x79x128xi32, #tpu.memory_space<vmem>>, %arg8: memref<128x128xf32, #tpu.memory_space<vmem>>, %arg9: memref<10240x128xf32, #tpu.memory_space<vmem_shared>>) attributes {dimension_semantics = [#tpu.dimension_semantics<core_parallel>, #tpu.dimension_semantics<subcore_parallel>], iteration_bounds = array<i64: 2, 16>, scalar_prefetch = 0 : i64, scratch_operands = 3 : i64, tpu.core_type = #tpu.core_type<sc_vector_subcore>, window_params = [{transform_indices = #map}, {transform_indices = #map}, {transform_indices = #map1}, {transform_indices = #map1}, {transform_indices = #map}]} {
    %mul3A = arith.constant 640 : i32
    %mul3A_0 = arith.muli %arg1, %mul3A : i32
    "tpu.region"() ({
      %run_scoped3A = tpu.sem_alloc : memref<!tpu.dma_semaphore, #tpu.memory_space<semaphore_mem>>
      %dma_start3A = arith.constant 0 : i32
      %dma_start3A_18 = tpu.memref_slice %arg9[%mul3A_0, %dma_start3A] : memref<10240x128xf32, #tpu.memory_space<vmem_shared>> -> memref<640x128xf32, #tpu.memory_space<vmem_shared>>
      tpu.enqueue_dma source(%arg5 : memref<640x128xf32, #tpu.memory_space<hbm>>) target(%dma_start3A_18 : memref<640x128xf32, #tpu.memory_space<vmem_shared>>) target_semaphore(%run_scoped3A : memref<!tpu.dma_semaphore, #tpu.memory_space<semaphore_mem>>)
      %dma_wait3A = arith.constant 0 : i32
      %dma_wait3A_19 = tpu.memref_slice %arg9[%mul3A_0, %dma_wait3A] : memref<10240x128xf32, #tpu.memory_space<vmem_shared>> -> memref<640x128xf32, #tpu.memory_space<vmem_shared>>
      tpu.wait_dma2 semaphore(%run_scoped3A : memref<!tpu.dma_semaphore, #tpu.memory_space<semaphore_mem>>) src(%arg5 : memref<640x128xf32, #tpu.memory_space<hbm>>) dst(%dma_wait3A_19 : memref<640x128xf32, #tpu.memory_space<vmem_shared>>)
      tpu.yield
    }) : () -> ()
    "tpu.region"() ({
      %run_scoped3A = tpu.sem_alloc : memref<!tpu.dma_semaphore, #tpu.memory_space<semaphore_mem>>
      tpu.enqueue_dma source(%arg4 : memref<128x128xf32, #tpu.memory_space<hbm>>) target(%arg8 : memref<128x128xf32, #tpu.memory_space<vmem>>) target_semaphore(%run_scoped3A : memref<!tpu.dma_semaphore, #tpu.memory_space<semaphore_mem>>)
      tpu.wait_dma2 semaphore(%run_scoped3A : memref<!tpu.dma_semaphore, #tpu.memory_space<semaphore_mem>>) src(%arg4 : memref<128x128xf32, #tpu.memory_space<hbm>>) dst(%arg8 : memref<128x128xf32, #tpu.memory_space<vmem>>)
      tpu.yield
    }) : () -> ()
    %eq3A = arith.constant 0 : i32
    %eq3A_1 = arith.cmpi eq, %arg0, %eq3A : i32
    %convert_element_type3A = arith.extui %eq3A_1 : i1 to i32
    %cond3A = arith.constant 0 : i32
    %cond3A_2 = arith.cmpi ne, %convert_element_type3A, %cond3A : i32
    scf.if %cond3A_2 {
      %mul3A_18 = arith.constant 2 : i32
      %mul3A_19 = arith.muli %mul3A_18, %arg1 : i32
      "tpu.region"() ({
        %run_scoped3A = tpu.sem_alloc : memref<!tpu.dma_semaphore, #tpu.memory_space<semaphore_mem>>
        %dma_start3A = arith.constant 0 : i32
        %dma_start3A_20 = arith.constant 0 : i32
        %dma_start3A_21 = tpu.memref_slice %arg2[%mul3A_19, %dma_start3A, %dma_start3A_20] : memref<32x79x128xi32, #tpu.memory_space<hbm>> -> memref<2x79x128xi32, #tpu.memory_space<hbm>>
        %dma_start3A_22 = arith.constant 0 : i32
        %dma_start3A_23 = arith.constant 0 : i32
        %dma_start3A_24 = tpu.memref_slice %arg2[%mul3A_19, %dma_start3A_22, %dma_start3A_23] : memref<32x79x128xi32, #tpu.memory_space<hbm>> -> memref<2x79x128xi32, #tpu.memory_space<hbm>>
        tpu.enqueue_dma source(%dma_start3A_24 : memref<2x79x128xi32, #tpu.memory_space<hbm>>) target(%arg7 : memref<2x79x128xi32, #tpu.memory_space<vmem>>) target_semaphore(%run_scoped3A : memref<!tpu.dma_semaphore, #tpu.memory_space<semaphore_mem>>)
        %dma_wait3A = arith.constant 0 : i32
        %dma_wait3A_25 = arith.constant 0 : i32
        %dma_wait3A_26 = tpu.memref_slice %arg2[%mul3A_19, %dma_wait3A, %dma_wait3A_25] : memref<32x79x128xi32, #tpu.memory_space<hbm>> -> memref<2x79x128xi32, #tpu.memory_space<hbm>>
        %dma_wait3A_27 = arith.constant 0 : i32
        %dma_wait3A_28 = arith.constant 0 : i32
        %dma_wait3A_29 = tpu.memref_slice %arg2[%mul3A_19, %dma_wait3A_27, %dma_wait3A_28] : memref<32x79x128xi32, #tpu.memory_space<hbm>> -> memref<2x79x128xi32, #tpu.memory_space<hbm>>
        tpu.wait_dma2 semaphore(%run_scoped3A : memref<!tpu.dma_semaphore, #tpu.memory_space<semaphore_mem>>) src(%dma_wait3A_29 : memref<2x79x128xi32, #tpu.memory_space<hbm>>) dst(%arg7 : memref<2x79x128xi32, #tpu.memory_space<vmem>>)
        tpu.yield
      }) : () -> ()
    } else {
    }
    %eq3A_3 = arith.constant 1 : i32
    %eq3A_4 = arith.cmpi eq, %arg0, %eq3A_3 : i32
    %convert_element_type3A_5 = arith.extui %eq3A_4 : i1 to i32
    %cond3A_6 = arith.constant 0 : i32
    %cond3A_7 = arith.cmpi ne, %convert_element_type3A_5, %cond3A_6 : i32
    scf.if %cond3A_7 {
      %mul3A_18 = arith.constant 2 : i32
      %mul3A_19 = arith.muli %mul3A_18, %arg1 : i32
      "tpu.region"() ({
        %run_scoped3A = tpu.sem_alloc : memref<!tpu.dma_semaphore, #tpu.memory_space<semaphore_mem>>
        %dma_start3A = arith.constant 0 : i32
        %dma_start3A_20 = arith.constant 0 : i32
        %dma_start3A_21 = tpu.memref_slice %arg3[%mul3A_19, %dma_start3A, %dma_start3A_20] : memref<32x79x128xi32, #tpu.memory_space<hbm>> -> memref<2x79x128xi32, #tpu.memory_space<hbm>>
        %dma_start3A_22 = arith.constant 0 : i32
        %dma_start3A_23 = arith.constant 0 : i32
        %dma_start3A_24 = tpu.memref_slice %arg3[%mul3A_19, %dma_start3A_22, %dma_start3A_23] : memref<32x79x128xi32, #tpu.memory_space<hbm>> -> memref<2x79x128xi32, #tpu.memory_space<hbm>>
        tpu.enqueue_dma source(%dma_start3A_24 : memref<2x79x128xi32, #tpu.memory_space<hbm>>) target(%arg7 : memref<2x79x128xi32, #tpu.memory_space<vmem>>) target_semaphore(%run_scoped3A : memref<!tpu.dma_semaphore, #tpu.memory_space<semaphore_mem>>)
        %dma_wait3A = arith.constant 0 : i32
        %dma_wait3A_25 = arith.constant 0 : i32
        %dma_wait3A_26 = tpu.memref_slice %arg3[%mul3A_19, %dma_wait3A, %dma_wait3A_25] : memref<32x79x128xi32, #tpu.memory_space<hbm>> -> memref<2x79x128xi32, #tpu.memory_space<hbm>>
        %dma_wait3A_27 = arith.constant 0 : i32
        %dma_wait3A_28 = arith.constant 0 : i32
        %dma_wait3A_29 = tpu.memref_slice %arg3[%mul3A_19, %dma_wait3A_27, %dma_wait3A_28] : memref<32x79x128xi32, #tpu.memory_space<hbm>> -> memref<2x79x128xi32, #tpu.memory_space<hbm>>
        tpu.wait_dma2 semaphore(%run_scoped3A : memref<!tpu.dma_semaphore, #tpu.memory_space<semaphore_mem>>) src(%dma_wait3A_29 : memref<2x79x128xi32, #tpu.memory_space<hbm>>) dst(%arg7 : memref<2x79x128xi32, #tpu.memory_space<vmem>>)
        tpu.yield
      }) : () -> ()
    } else {
    }
    %barrier3A = arith.constant 0 : index
    tpu.barrier barrier_id(%barrier3A)
    %scan3A = arith.constant 0 : i32
    %scan3A_8 = arith.constant 0 : i32
    %scan3A_9 = arith.constant 79 : i32
    %scan3A_10 = arith.addi %scan3A_8, %scan3A_9 : i32
    %scan3A_11 = arith.constant 1 : i32
    scf.for %scan3A_18 = %scan3A_8 to %scan3A_10 step %scan3A_11  : i32 {
      %run_scoped3A = arith.constant 0 : i32
      "tpu.region"() ({
        %run_scoped3A_20 = tpu.sem_alloc : memref<!tpu.dma_semaphore, #tpu.memory_space<semaphore_mem>>
        %dma_start3A = arith.constant 0 : i32
        %dma_start3A_21 = tpu.memref_slice %arg7[%run_scoped3A, %scan3A_18, %dma_start3A] : memref<2x79x128xi32, #tpu.memory_space<vmem>> -> memref<1x1x128xi32, #tpu.memory_space<vmem>>
        %dma_start3A_22 = tpu.memref_squeeze %dma_start3A_21 : memref<1x1x128xi32, #tpu.memory_space<vmem>> -> memref<128xi32, #tpu.memory_space<vmem>>
        %dma_start3A_23 = arith.constant 0 : i32
        %dma_start3A_24 = arith.constant 0 : i32
        %dma_start3A_25 = tpu.memref_slice %arg9[%dma_start3A_23, %dma_start3A_24] : memref<10240x128xf32, #tpu.memory_space<vmem_shared>> -> memref<10240x128xf32, #tpu.memory_space<vmem_shared>>
        tpu.enqueue_indirect_dma source(%arg8 : memref<128x128xf32, #tpu.memory_space<vmem>>) target(%dma_start3A_25 : memref<10240x128xf32, #tpu.memory_space<vmem_shared>>) offsets(%dma_start3A_22 : memref<128xi32, #tpu.memory_space<vmem>>) semaphore(%run_scoped3A_20 : memref<!tpu.dma_semaphore, #tpu.memory_space<semaphore_mem>>) {add = true}
        %dma_wait3A = arith.constant 0 : i32
        %dma_wait3A_26 = tpu.memref_slice %arg7[%run_scoped3A, %scan3A_18, %dma_wait3A] : memref<2x79x128xi32, #tpu.memory_space<vmem>> -> memref<1x1x128xi32, #tpu.memory_space<vmem>>
        %dma_wait3A_27 = tpu.memref_squeeze %dma_wait3A_26 : memref<1x1x128xi32, #tpu.memory_space<vmem>> -> memref<128xi32, #tpu.memory_space<vmem>>
        %dma_wait3A_28 = arith.constant 0 : i32
        %dma_wait3A_29 = arith.constant 0 : i32
        %dma_wait3A_30 = tpu.memref_slice %arg9[%dma_wait3A_28, %dma_wait3A_29] : memref<10240x128xf32, #tpu.memory_space<vmem_shared>> -> memref<10240x128xf32, #tpu.memory_space<vmem_shared>>
        tpu.wait_indirect_dma semaphore(%run_scoped3A_20 : memref<!tpu.dma_semaphore, #tpu.memory_space<semaphore_mem>>) src(%arg8 : memref<128x128xf32, #tpu.memory_space<vmem>>) dst(%dma_wait3A_30 : memref<10240x128xf32, #tpu.memory_space<vmem_shared>>)
        tpu.yield
      }) : () -> ()
      %run_scoped3A_19 = arith.constant 1 : i32
      "tpu.region"() ({
        %run_scoped3A_20 = tpu.sem_alloc : memref<!tpu.dma_semaphore, #tpu.memory_space<semaphore_mem>>
        %dma_start3A = arith.constant 0 : i32
        %dma_start3A_21 = tpu.memref_slice %arg7[%run_scoped3A_19, %scan3A_18, %dma_start3A] : memref<2x79x128xi32, #tpu.memory_space<vmem>> -> memref<1x1x128xi32, #tpu.memory_space<vmem>>
        %dma_start3A_22 = tpu.memref_squeeze %dma_start3A_21 : memref<1x1x128xi32, #tpu.memory_space<vmem>> -> memref<128xi32, #tpu.memory_space<vmem>>
        %dma_start3A_23 = arith.constant 0 : i32
        %dma_start3A_24 = arith.constant 0 : i32
        %dma_start3A_25 = tpu.memref_slice %arg9[%dma_start3A_23, %dma_start3A_24] : memref<10240x128xf32, #tpu.memory_space<vmem_shared>> -> memref<10240x128xf32, #tpu.memory_space<vmem_shared>>
        tpu.enqueue_indirect_dma source(%arg8 : memref<128x128xf32, #tpu.memory_space<vmem>>) target(%dma_start3A_25 : memref<10240x128xf32, #tpu.memory_space<vmem_shared>>) offsets(%dma_start3A_22 : memref<128xi32, #tpu.memory_space<vmem>>) semaphore(%run_scoped3A_20 : memref<!tpu.dma_semaphore, #tpu.memory_space<semaphore_mem>>) {add = true}
        %dma_wait3A = arith.constant 0 : i32
        %dma_wait3A_26 = tpu.memref_slice %arg7[%run_scoped3A_19, %scan3A_18, %dma_wait3A] : memref<2x79x128xi32, #tpu.memory_space<vmem>> -> memref<1x1x128xi32, #tpu.memory_space<vmem>>
        %dma_wait3A_27 = tpu.memref_squeeze %dma_wait3A_26 : memref<1x1x128xi32, #tpu.memory_space<vmem>> -> memref<128xi32, #tpu.memory_space<vmem>>
        %dma_wait3A_28 = arith.constant 0 : i32
        %dma_wait3A_29 = arith.constant 0 : i32
        %dma_wait3A_30 = tpu.memref_slice %arg9[%dma_wait3A_28, %dma_wait3A_29] : memref<10240x128xf32, #tpu.memory_space<vmem_shared>> -> memref<10240x128xf32, #tpu.memory_space<vmem_shared>>
        tpu.wait_indirect_dma semaphore(%run_scoped3A_20 : memref<!tpu.dma_semaphore, #tpu.memory_space<semaphore_mem>>) src(%arg8 : memref<128x128xf32, #tpu.memory_space<vmem>>) dst(%dma_wait3A_30 : memref<10240x128xf32, #tpu.memory_space<vmem_shared>>)
        tpu.yield
      }) : () -> ()
    }
    %scan3A_12 = arith.constant 79 : i32
    %barrier3A_13 = arith.constant 0 : index
    tpu.barrier barrier_id(%barrier3A_13)
    %mul3A_14 = arith.constant 640 : i32
    %mul3A_15 = arith.muli %arg1, %mul3A_14 : i32
    %mul3A_16 = arith.constant 640 : i32
    %mul3A_17 = arith.muli %arg1, %mul3A_16 : i32
    "tpu.region"() ({
      %run_scoped3A = tpu.sem_alloc : memref<!tpu.dma_semaphore, #tpu.memory_space<semaphore_mem>>
      %dma_start3A = arith.constant 0 : i32
      %dma_start3A_18 = tpu.memref_slice %arg6[%arg0, %mul3A_17, %dma_start3A] : memref<2x10240x128xf32, #tpu.memory_space<hbm>> -> memref<1x640x128xf32, #tpu.memory_space<hbm>>
      %dma_start3A_19 = tpu.memref_squeeze %dma_start3A_18 : memref<1x640x128xf32, #tpu.memory_space<hbm>> -> memref<640x128xf32, #tpu.memory_space<hbm>>
      %dma_start3A_20 = arith.constant 0 : i32
      %dma_start3A_21 = tpu.memref_slice %arg9[%mul3A_15, %dma_start3A_20] : memref<10240x128xf32, #tpu.memory_space<vmem_shared>> -> memref<640x128xf32, #tpu.memory_space<vmem_shared>>
      tpu.enqueue_dma source(%dma_start3A_21 : memref<640x128xf32, #tpu.memory_space<vmem_shared>>) target(%dma_start3A_19 : memref<640x128xf32, #tpu.memory_space<hbm>>) target_semaphore(%run_scoped3A : memref<!tpu.dma_semaphore, #tpu.memory_space<semaphore_mem>>)
      %dma_wait3A = arith.constant 0 : i32
      %dma_wait3A_22 = tpu.memref_slice %arg6[%arg0, %mul3A_17, %dma_wait3A] : memref<2x10240x128xf32, #tpu.memory_space<hbm>> -> memref<1x640x128xf32, #tpu.memory_space<hbm>>
      %dma_wait3A_23 = tpu.memref_squeeze %dma_wait3A_22 : memref<1x640x128xf32, #tpu.memory_space<hbm>> -> memref<640x128xf32, #tpu.memory_space<hbm>>
      %dma_wait3A_24 = arith.constant 0 : i32
      %dma_wait3A_25 = tpu.memref_slice %arg9[%mul3A_15, %dma_wait3A_24] : memref<10240x128xf32, #tpu.memory_space<vmem_shared>> -> memref<640x128xf32, #tpu.memory_space<vmem_shared>>
      tpu.wait_dma2 semaphore(%run_scoped3A : memref<!tpu.dma_semaphore, #tpu.memory_space<semaphore_mem>>) src(%dma_wait3A_25 : memref<640x128xf32, #tpu.memory_space<vmem_shared>>) dst(%dma_wait3A_23 : memref<640x128xf32, #tpu.memory_space<hbm>>)
      tpu.yield
    }) : () -> ()
    return
  }
}

#map = affine_map<(d0, d1) -> (0, 0)>
#map1 = affine_map<(d0, d1) -> (0, 0, 0)>
module attributes {stable_mosaic.version = 14 : i64} {
  func.func @_mp_kernel(%arg0: i32, %arg1: i32, %arg2: memref<10240x128xf32, #tpu.memory_space<hbm>>, %arg3: memref<32x79x128xi32, #tpu.memory_space<hbm>>, %arg4: memref<32x79x128xi32, #tpu.memory_space<hbm>>, %arg5: memref<640x128xf32, #tpu.memory_space<hbm>>, %arg6: memref<2x10240x128xf32, #tpu.memory_space<hbm>>, %arg7: memref<79x128xi32, #tpu.memory_space<vmem>>, %arg8: memref<79x128xi32, #tpu.memory_space<vmem>>, %arg9: memref<128x128xf32, #tpu.memory_space<vmem>>, %arg10: memref<10240x128xf32, #tpu.memory_space<vmem_shared>>, %arg11: memref<!tpu.dma_semaphore, #tpu.memory_space<semaphore_mem>>) attributes {dimension_semantics = [#tpu.dimension_semantics<core_parallel>, #tpu.dimension_semantics<subcore_parallel>], iteration_bounds = array<i64: 2, 16>, scalar_prefetch = 0 : i64, scratch_operands = 5 : i64, tpu.core_type = #tpu.core_type<sc_vector_subcore>, window_params = [{transform_indices = #map}, {transform_indices = #map1}, {transform_indices = #map1}, {transform_indices = #map}, {transform_indices = #map1}]} {
    %mul3A = arith.constant 2 : i32
    %mul3A_0 = arith.muli %arg1, %mul3A : i32
    %add3A = arith.addi %mul3A_0, %arg0 : i32
    %mul3A_1 = arith.constant 640 : i32
    %mul3A_2 = arith.muli %arg1, %mul3A_1 : i32
    "tpu.region"() ({
      %run_scoped3A = tpu.sem_alloc : memref<!tpu.dma_semaphore, #tpu.memory_space<semaphore_mem>>
      %dma_start3A = arith.constant 0 : i32
      %dma_start3A_13 = tpu.memref_slice %arg10[%mul3A_2, %dma_start3A] : memref<10240x128xf32, #tpu.memory_space<vmem_shared>> -> memref<640x128xf32, #tpu.memory_space<vmem_shared>>
      tpu.enqueue_dma source(%arg5 : memref<640x128xf32, #tpu.memory_space<hbm>>) target(%dma_start3A_13 : memref<640x128xf32, #tpu.memory_space<vmem_shared>>) target_semaphore(%run_scoped3A : memref<!tpu.dma_semaphore, #tpu.memory_space<semaphore_mem>>)
      %dma_wait3A = arith.constant 0 : i32
      %dma_wait3A_14 = tpu.memref_slice %arg10[%mul3A_2, %dma_wait3A] : memref<10240x128xf32, #tpu.memory_space<vmem_shared>> -> memref<640x128xf32, #tpu.memory_space<vmem_shared>>
      tpu.wait_dma2 semaphore(%run_scoped3A : memref<!tpu.dma_semaphore, #tpu.memory_space<semaphore_mem>>) src(%arg5 : memref<640x128xf32, #tpu.memory_space<hbm>>) dst(%dma_wait3A_14 : memref<640x128xf32, #tpu.memory_space<vmem_shared>>)
      tpu.yield
    }) : () -> ()
    "tpu.region"() ({
      %run_scoped3A = tpu.sem_alloc : memref<!tpu.dma_semaphore, #tpu.memory_space<semaphore_mem>>
      %dma_start3A = arith.constant 0 : i32
      %dma_start3A_13 = arith.constant 0 : i32
      %dma_start3A_14 = tpu.memref_slice %arg3[%add3A, %dma_start3A, %dma_start3A_13] : memref<32x79x128xi32, #tpu.memory_space<hbm>> -> memref<1x79x128xi32, #tpu.memory_space<hbm>>
      %dma_start3A_15 = tpu.memref_squeeze %dma_start3A_14 : memref<1x79x128xi32, #tpu.memory_space<hbm>> -> memref<79x128xi32, #tpu.memory_space<hbm>>
      %dma_start3A_16 = arith.constant 0 : i32
      %dma_start3A_17 = arith.constant 0 : i32
      %dma_start3A_18 = tpu.memref_slice %arg3[%add3A, %dma_start3A_16, %dma_start3A_17] : memref<32x79x128xi32, #tpu.memory_space<hbm>> -> memref<1x79x128xi32, #tpu.memory_space<hbm>>
      %dma_start3A_19 = tpu.memref_squeeze %dma_start3A_18 : memref<1x79x128xi32, #tpu.memory_space<hbm>> -> memref<79x128xi32, #tpu.memory_space<hbm>>
      tpu.enqueue_dma source(%dma_start3A_19 : memref<79x128xi32, #tpu.memory_space<hbm>>) target(%arg7 : memref<79x128xi32, #tpu.memory_space<vmem>>) target_semaphore(%run_scoped3A : memref<!tpu.dma_semaphore, #tpu.memory_space<semaphore_mem>>)
      %dma_wait3A = arith.constant 0 : i32
      %dma_wait3A_20 = arith.constant 0 : i32
      %dma_wait3A_21 = tpu.memref_slice %arg3[%add3A, %dma_wait3A, %dma_wait3A_20] : memref<32x79x128xi32, #tpu.memory_space<hbm>> -> memref<1x79x128xi32, #tpu.memory_space<hbm>>
      %dma_wait3A_22 = tpu.memref_squeeze %dma_wait3A_21 : memref<1x79x128xi32, #tpu.memory_space<hbm>> -> memref<79x128xi32, #tpu.memory_space<hbm>>
      %dma_wait3A_23 = arith.constant 0 : i32
      %dma_wait3A_24 = arith.constant 0 : i32
      %dma_wait3A_25 = tpu.memref_slice %arg3[%add3A, %dma_wait3A_23, %dma_wait3A_24] : memref<32x79x128xi32, #tpu.memory_space<hbm>> -> memref<1x79x128xi32, #tpu.memory_space<hbm>>
      %dma_wait3A_26 = tpu.memref_squeeze %dma_wait3A_25 : memref<1x79x128xi32, #tpu.memory_space<hbm>> -> memref<79x128xi32, #tpu.memory_space<hbm>>
      tpu.wait_dma2 semaphore(%run_scoped3A : memref<!tpu.dma_semaphore, #tpu.memory_space<semaphore_mem>>) src(%dma_wait3A_26 : memref<79x128xi32, #tpu.memory_space<hbm>>) dst(%arg7 : memref<79x128xi32, #tpu.memory_space<vmem>>)
      tpu.yield
    }) : () -> ()
    "tpu.region"() ({
      %run_scoped3A = tpu.sem_alloc : memref<!tpu.dma_semaphore, #tpu.memory_space<semaphore_mem>>
      %dma_start3A = arith.constant 0 : i32
      %dma_start3A_13 = arith.constant 0 : i32
      %dma_start3A_14 = tpu.memref_slice %arg4[%add3A, %dma_start3A, %dma_start3A_13] : memref<32x79x128xi32, #tpu.memory_space<hbm>> -> memref<1x79x128xi32, #tpu.memory_space<hbm>>
      %dma_start3A_15 = tpu.memref_squeeze %dma_start3A_14 : memref<1x79x128xi32, #tpu.memory_space<hbm>> -> memref<79x128xi32, #tpu.memory_space<hbm>>
      %dma_start3A_16 = arith.constant 0 : i32
      %dma_start3A_17 = arith.constant 0 : i32
      %dma_start3A_18 = tpu.memref_slice %arg4[%add3A, %dma_start3A_16, %dma_start3A_17] : memref<32x79x128xi32, #tpu.memory_space<hbm>> -> memref<1x79x128xi32, #tpu.memory_space<hbm>>
      %dma_start3A_19 = tpu.memref_squeeze %dma_start3A_18 : memref<1x79x128xi32, #tpu.memory_space<hbm>> -> memref<79x128xi32, #tpu.memory_space<hbm>>
      tpu.enqueue_dma source(%dma_start3A_19 : memref<79x128xi32, #tpu.memory_space<hbm>>) target(%arg8 : memref<79x128xi32, #tpu.memory_space<vmem>>) target_semaphore(%run_scoped3A : memref<!tpu.dma_semaphore, #tpu.memory_space<semaphore_mem>>)
      %dma_wait3A = arith.constant 0 : i32
      %dma_wait3A_20 = arith.constant 0 : i32
      %dma_wait3A_21 = tpu.memref_slice %arg4[%add3A, %dma_wait3A, %dma_wait3A_20] : memref<32x79x128xi32, #tpu.memory_space<hbm>> -> memref<1x79x128xi32, #tpu.memory_space<hbm>>
      %dma_wait3A_22 = tpu.memref_squeeze %dma_wait3A_21 : memref<1x79x128xi32, #tpu.memory_space<hbm>> -> memref<79x128xi32, #tpu.memory_space<hbm>>
      %dma_wait3A_23 = arith.constant 0 : i32
      %dma_wait3A_24 = arith.constant 0 : i32
      %dma_wait3A_25 = tpu.memref_slice %arg4[%add3A, %dma_wait3A_23, %dma_wait3A_24] : memref<32x79x128xi32, #tpu.memory_space<hbm>> -> memref<1x79x128xi32, #tpu.memory_space<hbm>>
      %dma_wait3A_26 = tpu.memref_squeeze %dma_wait3A_25 : memref<1x79x128xi32, #tpu.memory_space<hbm>> -> memref<79x128xi32, #tpu.memory_space<hbm>>
      tpu.wait_dma2 semaphore(%run_scoped3A : memref<!tpu.dma_semaphore, #tpu.memory_space<semaphore_mem>>) src(%dma_wait3A_26 : memref<79x128xi32, #tpu.memory_space<hbm>>) dst(%arg8 : memref<79x128xi32, #tpu.memory_space<vmem>>)
      tpu.yield
    }) : () -> ()
    %barrier3A = arith.constant 0 : index
    tpu.barrier barrier_id(%barrier3A)
    %scan3A = arith.constant 0 : i32
    %scan3A_3 = arith.constant 0 : i32
    %scan3A_4 = arith.constant 79 : i32
    %scan3A_5 = arith.addi %scan3A_3, %scan3A_4 : i32
    %scan3A_6 = arith.constant 1 : i32
    scf.for %scan3A_13 = %scan3A_3 to %scan3A_5 step %scan3A_6  : i32 {
      %dma_start3A = arith.constant 0 : i32
      %dma_start3A_14 = tpu.memref_slice %arg7[%scan3A_13, %dma_start3A] : memref<79x128xi32, #tpu.memory_space<vmem>> -> memref<1x128xi32, #tpu.memory_space<vmem>>
      %dma_start3A_15 = tpu.memref_squeeze %dma_start3A_14 : memref<1x128xi32, #tpu.memory_space<vmem>> -> memref<128xi32, #tpu.memory_space<vmem>>
      %dma_start3A_16 = arith.constant 0 : i32
      %dma_start3A_17 = arith.constant 0 : i32
      %dma_start3A_18 = tpu.memref_slice %arg2[%dma_start3A_16, %dma_start3A_17] : memref<10240x128xf32, #tpu.memory_space<hbm>> -> memref<10240x128xf32, #tpu.memory_space<hbm>>
      tpu.enqueue_indirect_dma source(%dma_start3A_18 : memref<10240x128xf32, #tpu.memory_space<hbm>>) target(%arg9 : memref<128x128xf32, #tpu.memory_space<vmem>>) offsets(%dma_start3A_15 : memref<128xi32, #tpu.memory_space<vmem>>) semaphore(%arg11 : memref<!tpu.dma_semaphore, #tpu.memory_space<semaphore_mem>>)
      %dma_wait3A = arith.constant 0 : i32
      %dma_wait3A_19 = tpu.memref_slice %arg7[%scan3A_13, %dma_wait3A] : memref<79x128xi32, #tpu.memory_space<vmem>> -> memref<1x128xi32, #tpu.memory_space<vmem>>
      %dma_wait3A_20 = tpu.memref_squeeze %dma_wait3A_19 : memref<1x128xi32, #tpu.memory_space<vmem>> -> memref<128xi32, #tpu.memory_space<vmem>>
      %dma_wait3A_21 = arith.constant 0 : i32
      %dma_wait3A_22 = arith.constant 0 : i32
      %dma_wait3A_23 = tpu.memref_slice %arg2[%dma_wait3A_21, %dma_wait3A_22] : memref<10240x128xf32, #tpu.memory_space<hbm>> -> memref<10240x128xf32, #tpu.memory_space<hbm>>
      tpu.wait_indirect_dma semaphore(%arg11 : memref<!tpu.dma_semaphore, #tpu.memory_space<semaphore_mem>>) src(%dma_wait3A_23 : memref<10240x128xf32, #tpu.memory_space<hbm>>) dst(%arg9 : memref<128x128xf32, #tpu.memory_space<vmem>>)
      "tpu.region"() ({
        %run_scoped3A = tpu.sem_alloc : memref<!tpu.dma_semaphore, #tpu.memory_space<semaphore_mem>>
        %dma_start3A_24 = arith.constant 0 : i32
        %dma_start3A_25 = tpu.memref_slice %arg8[%scan3A_13, %dma_start3A_24] : memref<79x128xi32, #tpu.memory_space<vmem>> -> memref<1x128xi32, #tpu.memory_space<vmem>>
        %dma_start3A_26 = tpu.memref_squeeze %dma_start3A_25 : memref<1x128xi32, #tpu.memory_space<vmem>> -> memref<128xi32, #tpu.memory_space<vmem>>
        %dma_start3A_27 = arith.constant 0 : i32
        %dma_start3A_28 = arith.constant 0 : i32
        %dma_start3A_29 = tpu.memref_slice %arg10[%dma_start3A_27, %dma_start3A_28] : memref<10240x128xf32, #tpu.memory_space<vmem_shared>> -> memref<10240x128xf32, #tpu.memory_space<vmem_shared>>
        tpu.enqueue_indirect_dma source(%arg9 : memref<128x128xf32, #tpu.memory_space<vmem>>) target(%dma_start3A_29 : memref<10240x128xf32, #tpu.memory_space<vmem_shared>>) offsets(%dma_start3A_26 : memref<128xi32, #tpu.memory_space<vmem>>) semaphore(%run_scoped3A : memref<!tpu.dma_semaphore, #tpu.memory_space<semaphore_mem>>) {add = true}
        %dma_wait3A_30 = arith.constant 0 : i32
        %dma_wait3A_31 = tpu.memref_slice %arg8[%scan3A_13, %dma_wait3A_30] : memref<79x128xi32, #tpu.memory_space<vmem>> -> memref<1x128xi32, #tpu.memory_space<vmem>>
        %dma_wait3A_32 = tpu.memref_squeeze %dma_wait3A_31 : memref<1x128xi32, #tpu.memory_space<vmem>> -> memref<128xi32, #tpu.memory_space<vmem>>
        %dma_wait3A_33 = arith.constant 0 : i32
        %dma_wait3A_34 = arith.constant 0 : i32
        %dma_wait3A_35 = tpu.memref_slice %arg10[%dma_wait3A_33, %dma_wait3A_34] : memref<10240x128xf32, #tpu.memory_space<vmem_shared>> -> memref<10240x128xf32, #tpu.memory_space<vmem_shared>>
        tpu.wait_indirect_dma semaphore(%run_scoped3A : memref<!tpu.dma_semaphore, #tpu.memory_space<semaphore_mem>>) src(%arg9 : memref<128x128xf32, #tpu.memory_space<vmem>>) dst(%dma_wait3A_35 : memref<10240x128xf32, #tpu.memory_space<vmem_shared>>)
        tpu.yield
      }) : () -> ()
    }
    %scan3A_7 = arith.constant 79 : i32
    %barrier3A_8 = arith.constant 0 : index
    tpu.barrier barrier_id(%barrier3A_8)
    %mul3A_9 = arith.constant 640 : i32
    %mul3A_10 = arith.muli %arg1, %mul3A_9 : i32
    %mul3A_11 = arith.constant 640 : i32
    %mul3A_12 = arith.muli %arg1, %mul3A_11 : i32
    "tpu.region"() ({
      %run_scoped3A = tpu.sem_alloc : memref<!tpu.dma_semaphore, #tpu.memory_space<semaphore_mem>>
      %dma_start3A = arith.constant 0 : i32
      %dma_start3A_13 = tpu.memref_slice %arg6[%arg0, %mul3A_12, %dma_start3A] : memref<2x10240x128xf32, #tpu.memory_space<hbm>> -> memref<1x640x128xf32, #tpu.memory_space<hbm>>
      %dma_start3A_14 = tpu.memref_squeeze %dma_start3A_13 : memref<1x640x128xf32, #tpu.memory_space<hbm>> -> memref<640x128xf32, #tpu.memory_space<hbm>>
      %dma_start3A_15 = arith.constant 0 : i32
      %dma_start3A_16 = tpu.memref_slice %arg10[%mul3A_10, %dma_start3A_15] : memref<10240x128xf32, #tpu.memory_space<vmem_shared>> -> memref<640x128xf32, #tpu.memory_space<vmem_shared>>
      tpu.enqueue_dma source(%dma_start3A_16 : memref<640x128xf32, #tpu.memory_space<vmem_shared>>) target(%dma_start3A_14 : memref<640x128xf32, #tpu.memory_space<hbm>>) target_semaphore(%run_scoped3A : memref<!tpu.dma_semaphore, #tpu.memory_space<semaphore_mem>>)
      %dma_wait3A = arith.constant 0 : i32
      %dma_wait3A_17 = tpu.memref_slice %arg6[%arg0, %mul3A_12, %dma_wait3A] : memref<2x10240x128xf32, #tpu.memory_space<hbm>> -> memref<1x640x128xf32, #tpu.memory_space<hbm>>
      %dma_wait3A_18 = tpu.memref_squeeze %dma_wait3A_17 : memref<1x640x128xf32, #tpu.memory_space<hbm>> -> memref<640x128xf32, #tpu.memory_space<hbm>>
      %dma_wait3A_19 = arith.constant 0 : i32
      %dma_wait3A_20 = tpu.memref_slice %arg10[%mul3A_10, %dma_wait3A_19] : memref<10240x128xf32, #tpu.memory_space<vmem_shared>> -> memref<640x128xf32, #tpu.memory_space<vmem_shared>>
      tpu.wait_dma2 semaphore(%run_scoped3A : memref<!tpu.dma_semaphore, #tpu.memory_space<semaphore_mem>>) src(%dma_wait3A_20 : memref<640x128xf32, #tpu.memory_space<vmem_shared>>) dst(%dma_wait3A_18 : memref<640x128xf32, #tpu.memory_space<hbm>>)
      tpu.yield
    }) : () -> ()
    return
  }
}

module attributes {stable_mosaic.version = 14 : i64} {
  func.func @_norm_body(%arg0: memref<10240x1xf32, #tpu.memory_space<vmem>>, %arg1: memref<10240x1xf32, #tpu.memory_space<vmem>>, %arg2: memref<10240x1xf32, #tpu.memory_space<vmem>>, %arg3: memref<10240x1xf32, #tpu.memory_space<vmem>>) attributes {dimension_semantics = [], scalar_prefetch = 0 : i64, scratch_operands = 0 : i64, tpu.core_type = #tpu.core_type<tc>} {
    %get3A = arith.constant 0 : index
    %get3A_0 = arith.constant 0 : index
    %get3A_1 = vector.load %arg0[%get3A, %get3A_0] : memref<10240x1xf32, #tpu.memory_space<vmem>>, vector<10240x1xf32>
    %get3A_2 = arith.constant 0 : index
    %get3A_3 = arith.constant 0 : index
    %get3A_4 = vector.load %arg1[%get3A_2, %get3A_3] : memref<10240x1xf32, #tpu.memory_space<vmem>>, vector<10240x1xf32>
    %max3A = arith.constant 1.000000e+00 : f32
    %max3A_5 = vector.broadcast %max3A : f32 to vector<10240x1xf32>
    %max3A_6 = arith.maximumf %get3A_1, %max3A_5 : vector<10240x1xf32>
    %rsqrt3A = math.rsqrt %max3A_6 : vector<10240x1xf32>
    %swap3A = arith.constant 0 : index
    %swap3A_7 = arith.constant 0 : index
    %swap3A_8 = vector.load %arg2[%swap3A, %swap3A_7] : memref<10240x1xf32, #tpu.memory_space<vmem>>, vector<10240x1xf32>
    tpu.vector_store %arg2[%swap3A, %swap3A_7], %rsqrt3A {strides = array<i32>} : memref<10240x1xf32, #tpu.memory_space<vmem>>, vector<10240x1xf32>,
    %max3A_9 = arith.constant 1.000000e+00 : f32
    %max3A_10 = vector.broadcast %max3A_9 : f32 to vector<10240x1xf32>
    %max3A_11 = arith.maximumf %get3A_4, %max3A_10 : vector<10240x1xf32>
    %rsqrt3A_12 = math.rsqrt %max3A_11 : vector<10240x1xf32>
    %swap3A_13 = arith.constant 0 : index
    %swap3A_14 = arith.constant 0 : index
    %swap3A_15 = vector.load %arg3[%swap3A_13, %swap3A_14] : memref<10240x1xf32, #tpu.memory_space<vmem>>, vector<10240x1xf32>
    tpu.vector_store %arg3[%swap3A_13, %swap3A_14], %rsqrt3A_12 {strides = array<i32>} : memref<10240x1xf32, #tpu.memory_space<vmem>>, vector<10240x1xf32>,
    return
  }
}

module attributes {stable_mosaic.version = 14 : i64} {
  func.func @_first_body(%arg0: i32, %arg1: memref<512x128xf32, #tpu.memory_space<vmem>>, %arg2: memref<128x128xf32, #tpu.memory_space<vmem>>, %arg3: memref<512x1xf32, #tpu.memory_space<vmem>>, %arg4: memref<512x128xf32, #tpu.memory_space<vmem>>) attributes {dimension_semantics = [#tpu.dimension_semantics<arbitrary>], iteration_bounds = array<i64: 20>, scalar_prefetch = 0 : i64, scratch_operands = 0 : i64, tpu.core_type = #tpu.core_type<tc>, window_params = [{transform_indices = @transform_0, window_bounds = array<i64: 512, 128>}, {pipeline_mode = #tpu.pipeline_mode<synchronous>, transform_indices = @transform_1, window_bounds = array<i64: 128, 128>}, {transform_indices = @transform_2, window_bounds = array<i64: 512, 1>}, {transform_indices = @transform_3, window_bounds = array<i64: 512, 128>}]} {
    %get3A = arith.constant 0 : index
    %get3A_0 = arith.constant 0 : index
    %get3A_1 = vector.load %arg1[%get3A, %get3A_0] : memref<512x128xf32, #tpu.memory_space<vmem>>, vector<512x128xf32>
    %get3A_2 = arith.constant 0 : index
    %get3A_3 = arith.constant 0 : index
    %get3A_4 = vector.load %arg2[%get3A_2, %get3A_3] : memref<128x128xf32, #tpu.memory_space<vmem>>, vector<128x128xf32>
    %dot_general3A = arith.constant dense<0.000000e+00> : vector<512x128xf32>
    %dot_general3A_5 = tpu.matmul %get3A_1, %get3A_4, %dot_general3A {dimension_numbers = #tpu.dot_dimension_numbers<[1], [0], [0], [1], [0, 0, 1, 1], [], []>, transpose_lhs_hint = false} : vector<512x128xf32>, vector<128x128xf32>, vector<512x128xf32> -> vector<512x128xf32>
    %get3A_6 = arith.constant 0 : index
    %get3A_7 = arith.constant 0 : index
    %get3A_8 = vector.load %arg3[%get3A_6, %get3A_7] : memref<512x1xf32, #tpu.memory_space<vmem>>, vector<512x1xf32>
    %mul3A = vector.broadcast %get3A_8 : vector<512x1xf32> to vector<512x128xf32>
    %mul3A_9 = arith.mulf %dot_general3A_5, %mul3A : vector<512x128xf32>
    %swap3A = arith.constant 0 : index
    %swap3A_10 = arith.constant 0 : index
    %swap3A_11 = vector.load %arg4[%swap3A, %swap3A_10] : memref<512x128xf32, #tpu.memory_space<vmem>>, vector<512x128xf32>
    tpu.vector_store %arg4[%swap3A, %swap3A_10], %mul3A_9 {strides = array<i32>} : memref<512x128xf32, #tpu.memory_space<vmem>>, vector<512x128xf32>,
    return
  }
  func.func @transform_0(%arg0: i32) -> (i32, i32) {
    %c0_i32 = arith.constant 0 : i32
    %c0_i32_0 = arith.constant 0 : i32
    return %arg0, %c0_i32 : i32, i32
  }
  func.func @transform_1(%arg0: i32) -> (i32, i32) {
    %c0_i32 = arith.constant 0 : i32
    %c0_i32_0 = arith.constant 0 : i32
    %c0_i32_1 = arith.constant 0 : i32
    return %c0_i32, %c0_i32_0 : i32, i32
  }
  func.func @transform_2(%arg0: i32) -> (i32, i32) {
    %c0_i32 = arith.constant 0 : i32
    %c0_i32_0 = arith.constant 0 : i32
    return %arg0, %c0_i32 : i32, i32
  }
  func.func @transform_3(%arg0: i32) -> (i32, i32) {
    %c0_i32 = arith.constant 0 : i32
    %c0_i32_0 = arith.constant 0 : i32
    return %arg0, %c0_i32 : i32, i32
  }
}

module attributes {stable_mosaic.version = 14 : i64} {
  func.func @_mid_body(%arg0: i32, %arg1: memref<2x512x128xf32, #tpu.memory_space<vmem>>, %arg2: memref<512x1xf32, #tpu.memory_space<vmem>>, %arg3: memref<1x128xf32, #tpu.memory_space<vmem>>, %arg4: memref<128x128xf32, #tpu.memory_space<vmem>>, %arg5: memref<512x1xf32, #tpu.memory_space<vmem>>, %arg6: memref<512x128xf32, #tpu.memory_space<vmem>>) attributes {dimension_semantics = [#tpu.dimension_semantics<arbitrary>], iteration_bounds = array<i64: 20>, scalar_prefetch = 0 : i64, scratch_operands = 0 : i64, tpu.core_type = #tpu.core_type<tc>, window_params = [{transform_indices = @transform_0, window_bounds = array<i64: 2, 512, 128>}, {transform_indices = @transform_1, window_bounds = array<i64: 512, 1>}, {pipeline_mode = #tpu.pipeline_mode<synchronous>, transform_indices = @transform_2, window_bounds = array<i64: 1, 128>}, {pipeline_mode = #tpu.pipeline_mode<synchronous>, transform_indices = @transform_3, window_bounds = array<i64: 128, 128>}, {transform_indices = @transform_4, window_bounds = array<i64: 512, 1>}, {transform_indices = @transform_5, window_bounds = array<i64: 512, 128>}]} {
    %get3A = arith.constant 0 : index
    %get3A_0 = arith.constant 0 : index
    %get3A_1 = arith.constant 0 : index
    %get3A_2 = vector.load %arg1[%get3A, %get3A_0, %get3A_1] : memref<2x512x128xf32, #tpu.memory_space<vmem>>, vector<1x512x128xf32>
    %get3A_3 = vector.shape_cast %get3A_2 : vector<1x512x128xf32> to vector<512x128xf32>
    %get3A_4 = arith.constant 1 : index
    %get3A_5 = arith.constant 0 : index
    %get3A_6 = arith.constant 0 : index
    %get3A_7 = vector.load %arg1[%get3A_4, %get3A_5, %get3A_6] : memref<2x512x128xf32, #tpu.memory_space<vmem>>, vector<1x512x128xf32>
    %get3A_8 = vector.shape_cast %get3A_7 : vector<1x512x128xf32> to vector<512x128xf32>
    %add3A = arith.addf %get3A_3, %get3A_8 : vector<512x128xf32>
    %get3A_9 = arith.constant 0 : index
    %get3A_10 = arith.constant 0 : index
    %get3A_11 = vector.load %arg2[%get3A_9, %get3A_10] : memref<512x1xf32, #tpu.memory_space<vmem>>, vector<512x1xf32>
    %mul3A = vector.broadcast %get3A_11 : vector<512x1xf32> to vector<512x128xf32>
    %mul3A_12 = arith.mulf %add3A, %mul3A : vector<512x128xf32>
    %get3A_13 = arith.constant 0 : index
    %get3A_14 = arith.constant 0 : index
    %get3A_15 = vector.load %arg3[%get3A_13, %get3A_14] : memref<1x128xf32, #tpu.memory_space<vmem>>, vector<1x128xf32>
    %add3A_16 = vector.broadcast %get3A_15 : vector<1x128xf32> to vector<512x128xf32>
    %add3A_17 = arith.addf %mul3A_12, %add3A_16 : vector<512x128xf32>
    %max3A = arith.constant 0.000000e+00 : f32
    %max3A_18 = vector.broadcast %max3A : f32 to vector<512x128xf32>
    %max3A_19 = arith.maximumf %add3A_17, %max3A_18 : vector<512x128xf32>
    %get3A_20 = arith.constant 0 : index
    %get3A_21 = arith.constant 0 : index
    %get3A_22 = vector.load %arg4[%get3A_20, %get3A_21] : memref<128x128xf32, #tpu.memory_space<vmem>>, vector<128x128xf32>
    %dot_general3A = arith.constant dense<0.000000e+00> : vector<512x128xf32>
    %dot_general3A_23 = tpu.matmul %max3A_19, %get3A_22, %dot_general3A {dimension_numbers = #tpu.dot_dimension_numbers<[1], [0], [0], [1], [0, 0, 1, 1], [], []>, transpose_lhs_hint = false} : vector<512x128xf32>, vector<128x128xf32>, vector<512x128xf32> -> vector<512x128xf32>
    %get3A_24 = arith.constant 0 : index
    %get3A_25 = arith.constant 0 : index
    %get3A_26 = vector.load %arg5[%get3A_24, %get3A_25] : memref<512x1xf32, #tpu.memory_space<vmem>>, vector<512x1xf32>
    %mul3A_27 = vector.broadcast %get3A_26 : vector<512x1xf32> to vector<512x128xf32>
    %mul3A_28 = arith.mulf %dot_general3A_23, %mul3A_27 : vector<512x128xf32>
    %swap3A = arith.constant 0 : index
    %swap3A_29 = arith.constant 0 : index
    %swap3A_30 = vector.load %arg6[%swap3A, %swap3A_29] : memref<512x128xf32, #tpu.memory_space<vmem>>, vector<512x128xf32>
    tpu.vector_store %arg6[%swap3A, %swap3A_29], %mul3A_28 {strides = array<i32>} : memref<512x128xf32, #tpu.memory_space<vmem>>, vector<512x128xf32>,
    return
  }
  func.func @transform_0(%arg0: i32) -> (i32, i32, i32) {
    %c0_i32 = arith.constant 0 : i32
    %c0_i32_0 = arith.constant 0 : i32
    %c0_i32_1 = arith.constant 0 : i32
    return %c0_i32, %arg0, %c0_i32_0 : i32, i32, i32
  }
  func.func @transform_1(%arg0: i32) -> (i32, i32) {
    %c0_i32 = arith.constant 0 : i32
    %c0_i32_0 = arith.constant 0 : i32
    return %arg0, %c0_i32 : i32, i32
  }
  func.func @transform_2(%arg0: i32) -> (i32, i32) {
    %c0_i32 = arith.constant 0 : i32
    %c0_i32_0 = arith.constant 0 : i32
    %c0_i32_1 = arith.constant 0 : i32
    return %c0_i32, %c0_i32_0 : i32, i32
  }
  func.func @transform_3(%arg0: i32) -> (i32, i32) {
    %c0_i32 = arith.constant 0 : i32
    %c0_i32_0 = arith.constant 0 : i32
    %c0_i32_1 = arith.constant 0 : i32
    return %c0_i32, %c0_i32_0 : i32, i32
  }
  func.func @transform_4(%arg0: i32) -> (i32, i32) {
    %c0_i32 = arith.constant 0 : i32
    %c0_i32_0 = arith.constant 0 : i32
    return %arg0, %c0_i32 : i32, i32
  }
  func.func @transform_5(%arg0: i32) -> (i32, i32) {
    %c0_i32 = arith.constant 0 : i32
    %c0_i32_0 = arith.constant 0 : i32
    return %arg0, %c0_i32 : i32, i32
  }
}

module attributes {stable_mosaic.version = 14 : i64} {
  func.func @_final_body(%arg0: i32, %arg1: memref<2x512x128xf32, #tpu.memory_space<vmem>>, %arg2: memref<512x1xf32, #tpu.memory_space<vmem>>, %arg3: memref<1x128xf32, #tpu.memory_space<vmem>>, %arg4: memref<512x128xf32, #tpu.memory_space<vmem>>) attributes {dimension_semantics = [#tpu.dimension_semantics<arbitrary>], iteration_bounds = array<i64: 20>, scalar_prefetch = 0 : i64, scratch_operands = 0 : i64, tpu.core_type = #tpu.core_type<tc>, window_params = [{transform_indices = @transform_0, window_bounds = array<i64: 2, 512, 128>}, {transform_indices = @transform_1, window_bounds = array<i64: 512, 1>}, {pipeline_mode = #tpu.pipeline_mode<synchronous>, transform_indices = @transform_2, window_bounds = array<i64: 1, 128>}, {transform_indices = @transform_3, window_bounds = array<i64: 512, 128>}]} {
    %get3A = arith.constant 0 : index
    %get3A_0 = arith.constant 0 : index
    %get3A_1 = arith.constant 0 : index
    %get3A_2 = vector.load %arg1[%get3A, %get3A_0, %get3A_1] : memref<2x512x128xf32, #tpu.memory_space<vmem>>, vector<1x512x128xf32>
    %get3A_3 = vector.shape_cast %get3A_2 : vector<1x512x128xf32> to vector<512x128xf32>
    %get3A_4 = arith.constant 1 : index
    %get3A_5 = arith.constant 0 : index
    %get3A_6 = arith.constant 0 : index
    %get3A_7 = vector.load %arg1[%get3A_4, %get3A_5, %get3A_6] : memref<2x512x128xf32, #tpu.memory_space<vmem>>, vector<1x512x128xf32>
    %get3A_8 = vector.shape_cast %get3A_7 : vector<1x512x128xf32> to vector<512x128xf32>
    %add3A = arith.addf %get3A_3, %get3A_8 : vector<512x128xf32>
    %get3A_9 = arith.constant 0 : index
    %get3A_10 = arith.constant 0 : index
    %get3A_11 = vector.load %arg2[%get3A_9, %get3A_10] : memref<512x1xf32, #tpu.memory_space<vmem>>, vector<512x1xf32>
    %mul3A = vector.broadcast %get3A_11 : vector<512x1xf32> to vector<512x128xf32>
    %mul3A_12 = arith.mulf %add3A, %mul3A : vector<512x128xf32>
    %get3A_13 = arith.constant 0 : index
    %get3A_14 = arith.constant 0 : index
    %get3A_15 = vector.load %arg3[%get3A_13, %get3A_14] : memref<1x128xf32, #tpu.memory_space<vmem>>, vector<1x128xf32>
    %add3A_16 = vector.broadcast %get3A_15 : vector<1x128xf32> to vector<512x128xf32>
    %add3A_17 = arith.addf %mul3A_12, %add3A_16 : vector<512x128xf32>
    %swap3A = arith.constant 0 : index
    %swap3A_18 = arith.constant 0 : index
    %swap3A_19 = vector.load %arg4[%swap3A, %swap3A_18] : memref<512x128xf32, #tpu.memory_space<vmem>>, vector<512x128xf32>
    tpu.vector_store %arg4[%swap3A, %swap3A_18], %add3A_17 {strides = array<i32>} : memref<512x128xf32, #tpu.memory_space<vmem>>, vector<512x128xf32>,
    return
  }
  func.func @transform_0(%arg0: i32) -> (i32, i32, i32) {
    %c0_i32 = arith.constant 0 : i32
    %c0_i32_0 = arith.constant 0 : i32
    %c0_i32_1 = arith.constant 0 : i32
    return %c0_i32, %arg0, %c0_i32_0 : i32, i32, i32
  }
  func.func @transform_1(%arg0: i32) -> (i32, i32) {
    %c0_i32 = arith.constant 0 : i32
    %c0_i32_0 = arith.constant 0 : i32
    return %arg0, %c0_i32 : i32, i32
  }
  func.func @transform_2(%arg0: i32) -> (i32, i32) {
    %c0_i32 = arith.constant 0 : i32
    %c0_i32_0 = arith.constant 0 : i32
    %c0_i32_1 = arith.constant 0 : i32
    return %c0_i32, %c0_i32_0 : i32, i32
  }
  func.func @transform_3(%arg0: i32) -> (i32, i32) {
    %c0_i32 = arith.constant 0 : i32
    %c0_i32_0 = arith.constant 0 : i32
    return %arg0, %c0_i32 : i32, i32
  }
}

</mosaic_0001>

<sc_bundles>
// kernel: kernel.11.cloned.1.call-start
scs
__scs_entry_jumppad:
0x0: {  	(pc) =	sbr.rel $0x88, $3  }
0x1: {  	(tag) =	ssettag $0x0;
	lr =	simm.s32 $0x1  }
0x2: {  	[smem:$0x3F99] =	sst lr;
	_ =	strace $0xD0000000  }
0x3: {  	_ = 	snop  }
0x4: {  	_ = 	snop  }
0x5: {  	_ = 	snop  }
0x6: {  	_ = 	snop  }
0x7: {  	_ = 	snop  }
__scs_overlays_trampoline_lowered:
0x8: {  	[smem:$0x3FA8] =	sst s0  }
0x9: {  	[smem:$0x3FA9] =	sst s1  }
0xa: {  	[smem:$0x3FAA] =	sst s2  }
0xb: {  	[smem:$0x3FAB] =	sst s3  }
0xc: {  	[smem:$0x3FAC] =	sst s4  }
0xd: {  	[smem:$0x3FAD] =	sst s5  }
0xe: {  	[smem:$0x3FAE] =	sst s6  }
0xf: {  	[smem:$0x3FAF] =	sst s7  }
0x10: {  	[smem:$0x3FB0] =	sst s8  }
0x11: {  	[smem:$0x3FB1] =	sst s9;
	s0 =	simm.s32 @!p0 $0x0  }
0x12: {  	s1 =	sld [smem:$0x3F97];
	s0 =	simm.s32 @p0 $0x1  }
0x13: {  	[smem:$0x3FB2] =	sst s0;
	s0 =	simm.s32 @!p1 $0x0  }
0x14: {  	s2 =	sld [smem:$0x3F96];
	s0 =	simm.s32 @p1 $0x1  }
0x15: {  	[smem:$0x3FB3] =	sst s0;
	s0 =	simm.s32 @!p2 $0x0  }
0x16: {  	s3 =	sld [smem:$0x3FDB];
	s0 =	simm.s32 @p2 $0x1  }
0x17: {  	s4 =	simm.s32 $0x1BF5;
	[smem:$0x3FB5] =	sst s0  }
0x18: {  	s0 =	sld [smem:$0x3F98];
	_ =	swait.ge [sflag:s4], $0x0  }
0x19: {  	s7 =	sld [smem:$0x3F99]  }
0x1a: {  	s8 =	sadd.s32 $0xFFFFE003, lr  }
0x1b: {  	s9 =	sadd.s32 $0xFFFFFEF7, lr;
	s5 =	simm.s32 $0xFFFFFFFF;
	p2 =	slt.u32 s8, $0xFFFFF086  }
0x1c: {  	p1 =	slt.u32 s9, $0xF7A;
	s5 =	simm.s32 @!p2 $0x0  }
0x1d: {  	s5 =	simm.s32 @p1 $0x1;
	p0 =	seq.s32 s7, s2  }
0x1e: {  	s7 =	smul.u32 @!p0 $0xF7A, s2;
	p2 =	seq.s32 @!p0 s5, $0x0  }
0x1f: {  	s9 =	smul.u32 $0xF7A, s1;
	s8 =	simm.s32 @!p0 $0x1BF5;
	p2 =	por !p2, p0  }
0x20: {  	[sflag:s8] =	ssyncset.s32 @!p0 $0xFFFFF086;
	s6 =	sadd.s32 @!p0 s3, s7;
	s7 =	simm.s32 @!p0 $0x108  }
0x21: {  	s3 =	sadd.s32 s3, s9;
	s6 =	sadd.s32 @!p0 $0x88, s6;
	s7 =	simm.s32 @p2 $0x1082  }
0x22: {  	[simem:s7], [sflag:s8] =	dma.local @!p0 [hbm:s6], $0xF7A  }
0x23: {  	s9 =	sor.u32 $0xD0000000, s2;
	s6 =	simm.s32 $0x108;
	_ =	swait.ge @!p0 [sflag:s8], $0x0  }
0x24: {  	s3 =	sadd.s32 $0x88, s3;
	s6 =	simm.s32 @!p1 $0x1082;
	[sflag:s4] =	ssyncset.s32 $0xFFFFF086  }
0x25: {  	[simem:s6], [sflag:s4] =	dma.local [hbm:s3], $0xF7A  }
0x26: {  	[smem:$0x3F99] =	sst s1;
	(tag) =	ssettag s2;
	_ =	strace s9  }
0x27: {  	s1 =	sld [smem:$0x3FA9]  }
0x28: {  	s2 =	sld [smem:$0x3FAA]  }
0x29: {  	s4 =	sld [smem:$0x3FAC]  }
0x2a: {  	p0 =	seq.s32 s5, $0x0;
	s5 =	sld [smem:$0x3FAD]  }
0x2b: {  	s6 =	sld [smem:$0x3FAE]  }
0x2c: {  	s7 =	sld [smem:$0x3FAF]  }
0x2d: {  	s3 =	simm.s32 $0x108;
	s8 =	sld [smem:$0x3FB0]  }
0x2e: {  	s3 =	simm.s32 @!p0 $0x1082;
	s9 =	sld [smem:$0x3FB1]  }
0x2f: {  	lr =	sadd.s32 s0, s3;
	s0 =	sld [smem:$0x3FA8]  }
0x30: {  	s3 =	sld [smem:$0x3FAB]  }
0x31: {  	[smem:$0x3FB4] =	sst s10  }
0x32: {  	s10 =	sld [smem:$0x3FB2];
	_ =	sdelay $0x3  }
0x33: {  	p0 =	seq.s32 s10, $0x1;
	s10 =	sld [smem:$0x3FB4];
	_ =	sdelay $0x3  }
0x34: {  	[smem:$0x3FB4] =	sst s10  }
0x35: {  	s10 =	sld [smem:$0x3FB3];
	_ =	sdelay $0x3  }
0x36: {  	p1 =	seq.s32 s10, $0x1;
	s10 =	sld [smem:$0x3FB4];
	_ =	sdelay $0x3  }
0x37: {  	[smem:$0x3FB4] =	sst s10  }
0x38: {  	s10 =	sld [smem:$0x3FB5]  }
0x39: {  	_ = 	snop;
	(pc) =	sbr.ind lr, $3  }
0x3a: {  	_ = 	snop  }
0x3b: {  	_ = 	snop  }
0x3c: {  	p2 =	seq.s32 s10, $0x1;
	s10 =	sld [smem:$0x3FB4]  }
0x3d: {  	_ =	shalt  }
0x3e: {  	_ =	shalt  }
0x3f: {  	_ =	shalt  }
0x40: {  	_ =	shalt  }
0x41: {  	_ =	shalt  }
0x42: {  	_ =	shalt  }
0x43: {  	_ =	shalt  }
0x44: {  	_ =	shalt  }
0x45: {  	_ =	shalt  }
0x46: {  	_ =	shalt  }
0x47: {  	_ =	shalt  }
0x48: {  	_ =	shalt  }
0x49: {  	_ =	shalt  }
0x4a: {  	_ =	shalt  }
0x4b: {  	_ =	shalt  }
0x4c: {  	_ =	shalt  }
0x4d: {  	_ =	shalt  }
0x4e: {  	_ =	shalt  }
0x4f: {  	_ =	shalt  }
0x50: {  	_ =	shalt  }
0x51: {  	_ =	shalt  }
0x52: {  	_ =	shalt  }
0x53: {  	_ =	shalt  }
0x54: {  	_ =	shalt  }
0x55: {  	_ =	shalt  }
0x56: {  	_ =	shalt  }
0x57: {  	_ =	shalt  }
0x58: {  	_ =	shalt  }
0x59: {  	_ =	shalt  }
0x5a: {  	_ =	shalt  }
0x5b: {  	_ =	shalt  }
0x5c: {  	_ =	shalt  }
0x5d: {  	_ =	shalt  }
0x5e: {  	_ =	shalt  }
0x5f: {  	_ =	shalt  }
0x60: {  	_ =	shalt  }
0x61: {  	_ =	shalt  }
0x62: {  	_ =	shalt  }
0x63: {  	_ =	shalt  }
0x64: {  	_ =	shalt  }
0x65: {  	_ =	shalt  }
0x66: {  	_ =	shalt  }
0x67: {  	_ =	shalt  }
0x68: {  	_ =	shalt  }
0x69: {  	_ =	shalt  }
0x6a: {  	_ =	shalt  }
0x6b: {  	_ =	shalt  }
0x6c: {  	_ =	shalt  }
0x6d: {  	_ =	shalt  }
0x6e: {  	_ =	shalt  }
0x6f: {  	_ =	shalt  }
0x70: {  	_ =	shalt  }
0x71: {  	_ =	shalt  }
0x72: {  	_ =	shalt  }
0x73: {  	_ =	shalt  }
0x74: {  	_ =	shalt  }
0x75: {  	_ =	shalt  }
0x76: {  	_ =	shalt  }
0x77: {  	_ =	shalt  }
0x78: {  	_ =	shalt  }
0x79: {  	_ =	shalt  }
0x7a: {  	_ =	shalt  }
0x7b: {  	_ =	shalt  }
0x7c: {  	_ =	shalt  }
0x7d: {  	_ =	shalt  }
0x7e: {  	_ =	shalt  }
0x7f: {  	_ =	shalt  }
0x80: {  	_ =	shalt  }
0x81: {  	_ =	shalt  }
0x82: {  	_ =	shalt  }
0x83: {  	_ =	shalt  }
0x84: {  	_ =	shalt  }
0x85: {  	_ =	shalt  }
0x86: {  	_ =	shalt  }
0x87: {  	_ =	shalt  }
.Lfunc_end0:
.L_simem_size_0:
called_computation_lowered:
.L_overlay_start_0:
0x88: {  	s2 =	sld [smem:$0x3FD9]  }
0x89: {  	s3 =	sld [smem:$0x3FFE];
	_ =	sdelay $0x1  }
0x8a: {  	s1 =	srdreg.scid  }
0x8b: {  	s0 =	sand.u32 $0x1, s1  }
0x8c: {  	s17 =	sshll.u32 s0, $0xA;
	s2 =	sadd.s32 s3, s2  }
0x8d: {  	s2 =	sadd.s32 s2, s17  }
0x8e: {  	[smem:$0x3FC0] =	sst s2  }
0x8f: {  	_ = 	snop  }
0x90: {  	s2 =	sld [smem:$0x3FD0];
	(tm) =	ssettm $0x1  }
0x91: {  	s18 =	sld [smem:$0x3FFB];
	_ =	sdelay $0x3  }
0x92: {  	_ =	strace s18  }
0x93: {  	s3 =	sld [smem:$0x3FFC];
	_ =	sdelay $0x3  }
0x94: {  	_ =	strace s3  }
0x95: {  	s3 =	sld [smem:$0x3FFD];
	_ =	sdelay $0x3  }
0x96: {  	_ =	strace s3  }
0x97: {  	_ =	strace $0x8FFFFFFF  }
0x98: {  	s19 =	sld [smem:$0x3FDB];
	_ =	sdelay $0x1  }
0x99: {  	s4 =	simm.s32 $_scs_section_size  }
0x9a: {  	s5 =	simm.s32 $_size__tile_overlayer_lowered;
	s6 =	simm.s32 $_tile_overlayer_lowered  }
0x9b: {  	s22 =	simm.s32 $0x1BFF;
	s21 =	sshll.u32 s6, $0x1;
	s3 =	sadd.s32 s4, s19  }
0x9c: {  	s7 =	simm.s32 $0x0;
	s20 =	sshll.u32 s5, $0x1;
	s5 =	sadd.s32 s21, s3  }
0x9d: {  	[timem:s7], [sflag:s22] =	dma.local [hbm:s5], s20  }
0x9e: {  	_ =	swait.ge [sflag:s22], s20  }
0x9f: {  	s4 =	ssub.s32 $0x0, s20;
	[sflag:s22] =	ssyncset.done $0x0  }
0xa0: {  	[sflag:s22] =	ssyncadd.s32 s4;
	_ =	sdelay $0x1  }
0xa1: {  	s23 =	simm.s32 $0x1B8B  }
0xa2: {  	_ =	swait.ge [sflag:s23], $0x1  }
0xa3: {  	[sflag:s23] =	ssyncset.done $0x0  }
0xa4: {  	s25 =	simm.s32 $0x1B8E;
	s24 =	sld [smem:$0x3FFE];
	[sflag:s23] =	ssyncadd.s32 $0xFFFFFFFF  }
0xa5: {  	s26 =	simm.s32 $execute0_lowered;
	[smem:$0x3FD2] =	sst s25  }
0xa6: {  	s5 =	sshll.u32 s26, $0x1;
	_ =	strace $0x80000046;
	[dreg:$0x1] =	wrdreg $0xFFFFFFFF  }
0xa7: {  	s28 =	simm.s32 $_size_execute0_lowered;
	s3 =	sadd.s32 s3, s5;
	[dreg:$0x0] =	wrdreg $0x0  }
0xa8: {  	s5 =	sshll.u32 s28, $0x1;
	[dreg:$0x2] =	wrdreg s3  }
0xa9: {  	[dreg:$0x3] =	wrdreg s5  }
0xaa: {  	[dreg:$0x4] =	wrdreg $0xC0  }
0xab: {  	_ =	task [dreg:s7], $0x5FFFF  }
0xac: {  	[dreg:$0x1] =	wrdreg $0xFFFFFFFF  }
0xad: {  	[dreg:$0x0] =	wrdreg $0x60  }
0xae: {  	[dreg:$0x2] =	wrdreg s2  }
0xaf: {  	[dreg:$0x3] =	wrdreg s24  }
0xb0: {  	[dreg:$0x4] =	wrdreg $0x90000  }
0xb1: {  	[dreg:$0x5] =	wrdreg $0x9  }
0xb2: {  	_ =	task.clear_ibuf [dreg:s7], $0x6FFFF;
	_ =	strace $0x90000046  }
0xb3: {  	s29 =	simm.s32 $0x9;
	_ =	strace $0x80000048  }
0xb4: {  	_ =	swait.ge [sflag:s29], $0x1  }
0xb5: {  	[sflag:s29] =	ssyncadd.s32 $0xFFFFFFFF  }
0xb6: {  	_ =	strace $0x90000048  }
0xb7: {  	_ =	sfence  }
0xb8: {  	s30 =	sld [smem:$0x0];
	_ =	sdelay $0x2  }
0xb9: {  	s31 =	sshll.u32 s1, $0xD;
	s1 =	sshrl.u32 s1, $0x2  }
0xba: {  	s3 =	sand.u32 $0x4000, s31;
	s1 =	sadd.s32 s1, s30  }
0xbb: {  	s0 =	sor.u32 s3, s0;
	s1 =	sshll.u32 s1, $0x11  }
0xbc: {  	s0 =	sor.u32 s1, s0  }
0xbd: {  	s0 =	sadd.s32 $0x8F2B, s0  }
0xbe: {  	[sflag:s0] =	ssyncadd.remote.s32 $0x1  }
0xbf: {  	_ =	sfence.sel $0xFFFF  }
0xc0: {  	[dreg:$0x0] =	wrdreg $0xFFFFFFFF;
	(pc) =	sbr.abs _section_cstart, $3  }
0xc1: {  	[dreg:$0x1] =	wrdreg $0xFFFFFFFF  }
0xc2: {  	_ =	task.clear_ibuf [dreg:s7], $0x2FFFF;
	_ =	strace $0x9FFFFFFF  }
0xc3: {  	(tm) =	ssettm $0x7FFFFFFF  }
tec
execute0_lowered:
.L_overlay_start_1:
0x0: {  	(tag) =	ssettag $0x1  }
0x1: {  	s9 =	rddreg [dreg:$0x0]  }
0x2: {  	s6 =	rddreg [dreg:$0x1]  }
0x3: {  	s1 =	rddreg [dreg:$0x2]  }
0x4: {  	s0 =	rddreg [dreg:$0x3];
	s3 =	simm.s32 $0x0;
	s2 =	srdreg.scid  }
0x5: {  	s14 =	simm.s32 $0x2800;
	s15 =	simm.s32 $0x80;
	s16 =	simm.s32 $0x0  }
0x6: {  	[smem:$0x7FF] =	sst s3;
	s7 =	sand.u32 $0x1, s2;
	s2 =	stileid.u32  }
0x7: {  	s11 =	sadd.s32 $0x2200, s6;
	s4 =	sadd.s32 $0xEA00, s6;
	s8 =	smul.u32 $0x140000, s7  }
0x8: {  	s5 =	sadd.s32 $0xC200, s6;
	_ =	strace $0x80000047;
	s10 =	smul.u32 $0x14000, s2  }
0x9: {  	s12 =	smul.u32 $0x50000, s2;
	s29 =	ssub.s32 $0x2, s7;
	s30 =	sshll.u32 s2, $0x6  }
0xa: {  	p0 =	seq.s32 s7, $0x1;
	s31 =	smul.u32 $0xA00, s2;
	s13 =	sshrl.u32 s29, $0x1  }
0xb: {  	s9 =	smov.u32 @p0 s11;
	s11 =	simm.s32 $0x1;
	s8 =	sadd.s32 s10, s8  }
0xc: {  	s12 =	sshrl.u32 s12, $0x2;
	s10 =	ssub.s32 s29, s13;
	s8 =	sshrl.u32 s8, $0x3  }
0xd: {  	s9 =	sadd.s32 s9, s31;
	s12 =	sadd.s32 s12, s1;
	s8 =	sadd.s32 s8, s6  }
0xe: {  	s13 =	sadd.s32 $0x500, s9;
	s6 =	sor.u32 $0x1C01, s30;
	s7 =	sadd.s32 $0xF200, s8  }
0xf: {  	s8 =	smax.u32 s10, $0x1;
	s10 =	sshrl.u32 s12, $0x3;
	s12 =	simm.s32 $0x5000  }
.LBB2_1:
0x10: {  	[spmem:s10], [sflag:s6] =	dma.local [hbm:s5], $0x2800  }
0x11: {  	_ =	swait.ge [sflag:s11], $0x2800  }
0x12: {  	[sflag:s11] =	ssyncset.done $0x0  }
0x13: {  	[sflag:s11] =	ssyncadd.s32 $0xFFFFD800  }
0x14: {  	[tilespmem:s12], [sflag:$0x1] =	stream.linear.gather [hbm4b:s4+s3], $0x4000, $0x38;
	[tilespmem:$0x1D000] =	vst v63  }
0x15: {  	_ =	swait.ge [sflag:s11], $0x4000  }
0x16: {  	[sflag:s11] =	ssyncset.done $0x0  }
0x17: {  	[sflag:s11] =	ssyncadd.s32 $0xFFFFC000  }
0x18: {  	[tilespmem:s3], [sflag:$0x1] =	stream.linear.gather [hbm4b:s9+s3], $0x2780, $0x38;
	[tilespmem:$0x1D000] =	vst v63  }
0x19: {  	_ = 	snop  }
0x1a: {  	[tilespmem:s14], [sflag:$0x1] =	stream.linear.gather [hbm4b:s13+s3], $0x2780, $0x38;
	[tilespmem:$0x1D000] =	vst v63  }
0x1b: {  	_ =	swait.ge [sflag:s11], $0x4F00  }
0x1c: {  	[sflag:s11] =	ssyncset.done $0x0  }
0x1d: {  	[sflag:s11] =	ssyncadd.s32 $0xFFFFB100  }
0x1e: {  	s17 =	simm.s32 $0x0;
	[bflag:$0x0] =	sbarrier.arrive $0xFFFF  }
0x1f: {  	[spmem:s1] =	stream.indirect.scatter.add.f32 [tilespmem:s12], [sflag:$0x1], $0x80, s17, s15, $0xb8;
	[tilespmem:$0x1D000] =	vst v63  }
0x20: {  	_ =	swait.ge [sflag:s11], $0x4000  }
0x21: {  	[sflag:s11] =	ssyncset.done $0x0  }
0x22: {  	s31 =	simm.s32 $0x2800;
	[sflag:s11] =	ssyncadd.s32 $0xFFFFC000  }
0x23: {  	[spmem:s1] =	stream.indirect.scatter.add.f32 [tilespmem:s12], [sflag:$0x1], $0x80, s31, s15, $0xb8;
	[tilespmem:$0x1D000] =	vst v63  }
0x24: {  	_ =	swait.ge [sflag:s11], $0x4000  }
0x25: {  	s18 =	simm.s32 $0x400;
	s17 =	simm.s32 $0x200;
	[sflag:s11] =	ssyncset.done $0x0  }
.LBB2_2:
0x26: {  	s19 =	sshra.s32 s17, $0x2  }
0x27: {  	[sflag:s11] =	ssyncadd.s32 $0xFFFFC000;
	s17 =	smov.u32 s18;
	s20 =	sadd.s32 $0x200, s18  }
0x28: {  	[spmem:s1] =	stream.indirect.scatter.add.f32 [tilespmem:s12], [sflag:$0x1], $0x80, s19, s15, $0xb8;
	[tilespmem:$0x1D000] =	vst v63  }
0x29: {  	p0 =	sne.s32 s18, $0x9C00;
	_ =	swait.ge [sflag:s11], $0x4000  }
.Ltmp0:
0x2a: {  	[sflag:s11] =	ssyncset.done $0x0;
	(pc) =	sbr.rel @p0 .LBB2_2-.Ltmp0, $4  }
0x2b: {  	s18 =	sadd.s32 $0x2800, s19;
	[sflag:s11] =	ssyncadd.s32 $0xFFFFC000  }
0x2c: {  	[spmem:s1] =	stream.indirect.scatter.add.f32 [tilespmem:s12], [sflag:$0x1], $0x80, s18, s15, $0xb8;
	[tilespmem:$0x1D000] =	vst v63  }
0x2d: {  	_ =	swait.ge [sflag:s11], $0x4000  }
0x2e: {  	s18 =	smov.u32 s20;
	[sflag:s11] =	ssyncset.done $0x0  }
0x2f: {  	s17 =	sshra.s32 s17, $0x2;
	[sflag:s11] =	ssyncadd.s32 $0xFFFFC000  }
0x30: {  	[spmem:s1] =	stream.indirect.scatter.add.f32 [tilespmem:s12], [sflag:$0x1], $0x80, s17, s15, $0xb8;
	[tilespmem:$0x1D000] =	vst v63  }
0x31: {  	_ =	swait.ge [sflag:s11], $0x4000  }
0x32: {  	[sflag:s11] =	ssyncset.done $0x0  }
0x33: {  	s17 =	sadd.s32 $0x2800, s17;
	[sflag:s11] =	ssyncadd.s32 $0xFFFFC000  }
0x34: {  	[spmem:s1] =	stream.indirect.scatter.add.f32 [tilespmem:s12], [sflag:$0x1], $0x80, s17, s15, $0xb8;
	[tilespmem:$0x1D000] =	vst v63  }
0x35: {  	_ =	swait.ge [sflag:s11], $0x4000  }
0x36: {  	s16 =	sadd.s32 $0x1, s16;
	[sflag:s11] =	ssyncset.done $0x0  }
0x37: {  	p0 =	sne.s32 s16, s8;
	[sflag:s11] =	ssyncadd.s32 $0xFFFFC000  }
.Ltmp1:
0x38: {  	[bflag:$0x0] =	sbarrier.arrive $0xFFFF;
	(pc) =	sbr.rel @p0 .LBB2_1-.Ltmp1, $4  }
0x39: {  	[hbm:s7], [sflag:s6] =	dma.local [spmem:s10], $0x2800  }
0x3a: {  	_ =	swait.ge [sflag:s11], $0x2800  }
0x3b: {  	[sflag:s11] =	ssyncset.done $0x0  }
0x3c: {  	[sflag:s11] =	ssyncadd.s32 $0xFFFFD800  }
0x3d: {  	_ =	sfence.sel $0x180000  }
0x3e: {  	[bflag:$0x0] =	sbarrier.arrive $0xFFFF  }
0x3f: {  	p0 =	sne.s32 s2, $0x0;
	_ =	strace $0x90000047  }
0x40: {  	s0 =	sadd.s32 @!p0 $0x100000, s0;
	[bflag:$0x2] =	sbarrier.arrive $0xFFFF  }
0x41: {  	[sflag:s0] =	ssyncadd.tile.s32 @!p0 $0x1;
	_ =	shalt  }
.Lfunc_end2:
_tile_overlayer_lowered:
.L_overlay_start_2:
0x42: {  	(tag) =	ssettag $0x2  }
0x43: {  	s0 =	rddreg [dreg:$0x0];
	s2 =	stileid.u32  }
0x44: {  	s1 =	rddreg [dreg:$0x1];
	p0 =	sne.s32 s2, $0x0  }
0x45: {  	s3 =	rddreg [dreg:$0x2];
	[bflag:$0x3] =	sbarrier.arrive $0xFFFF;
	s2 =	simm.s32 @!p0 $0x1C01  }
0x46: {  	[timem:s3], [sflag:s2] =	dma.local @!p0 [hbm:s0], s1  }
0x47: {  	s0 =	simm.s32 @!p0 $0x1  }
0x48: {  	_ =	swait.ge @!p0 [sflag:s0], s1  }
0x49: {  	s1 =	ssub.s32 @!p0 $0x0, s1;
	[sflag:s0] =	ssyncset.done @!p0 $0x0  }
0x4a: {  	[sflag:s0] =	ssyncadd.s32 @!p0 s1  }
0x4b: {  	[bflag:$0x3] =	sbarrier.arrive $0xFFFF  }
0x4c: {  	_ =	shalt  }

// kernel: kernel.14.cloned.1.call-start
scs
__scs_entry_jumppad:
0x0: {  	(pc) =	sbr.rel $0x88, $3  }
0x1: {  	(tag) =	ssettag $0x0;
	lr =	simm.s32 $0x1  }
0x2: {  	[smem:$0x3F99] =	sst lr;
	_ =	strace $0xD0000000  }
0x3: {  	_ = 	snop  }
0x4: {  	_ = 	snop  }
0x5: {  	_ = 	snop  }
0x6: {  	_ = 	snop  }
0x7: {  	_ = 	snop  }
__scs_overlays_trampoline_lowered:
0x8: {  	[smem:$0x3FA8] =	sst s0  }
0x9: {  	[smem:$0x3FA9] =	sst s1  }
0xa: {  	[smem:$0x3FAA] =	sst s2  }
0xb: {  	[smem:$0x3FAB] =	sst s3  }
0xc: {  	[smem:$0x3FAC] =	sst s4  }
0xd: {  	[smem:$0x3FAD] =	sst s5  }
0xe: {  	[smem:$0x3FAE] =	sst s6  }
0xf: {  	[smem:$0x3FAF] =	sst s7  }
0x10: {  	[smem:$0x3FB0] =	sst s8  }
0x11: {  	[smem:$0x3FB1] =	sst s9;
	s0 =	simm.s32 @!p0 $0x0  }
0x12: {  	s1 =	sld [smem:$0x3F97];
	s0 =	simm.s32 @p0 $0x1  }
0x13: {  	[smem:$0x3FB2] =	sst s0;
	s0 =	simm.s32 @!p1 $0x0  }
0x14: {  	s2 =	sld [smem:$0x3F96];
	s0 =	simm.s32 @p1 $0x1  }
0x15: {  	[smem:$0x3FB3] =	sst s0;
	s0 =	simm.s32 @!p2 $0x0  }
0x16: {  	s3 =	sld [smem:$0x3FDB];
	s0 =	simm.s32 @p2 $0x1  }
0x17: {  	s4 =	simm.s32 $0x1BF5;
	[smem:$0x3FB5] =	sst s0  }
0x18: {  	s0 =	sld [smem:$0x3F98];
	_ =	swait.ge [sflag:s4], $0x0  }
0x19: {  	s7 =	sld [smem:$0x3F99]  }
0x1a: {  	s8 =	sadd.s32 $0xFFFFE003, lr  }
0x1b: {  	s9 =	sadd.s32 $0xFFFFFEF7, lr;
	s5 =	simm.s32 $0xFFFFFFFF;
	p2 =	slt.u32 s8, $0xFFFFF086  }
0x1c: {  	p1 =	slt.u32 s9, $0xF7A;
	s5 =	simm.s32 @!p2 $0x0  }
0x1d: {  	s5 =	simm.s32 @p1 $0x1;
	p0 =	seq.s32 s7, s2  }
0x1e: {  	s7 =	smul.u32 @!p0 $0xF7A, s2;
	p2 =	seq.s32 @!p0 s5, $0x0  }
0x1f: {  	s9 =	smul.u32 $0xF7A, s1;
	s8 =	simm.s32 @!p0 $0x1BF5;
	p2 =	por !p2, p0  }
0x20: {  	[sflag:s8] =	ssyncset.s32 @!p0 $0xFFFFF086;
	s6 =	sadd.s32 @!p0 s3, s7;
	s7 =	simm.s32 @!p0 $0x108  }
0x21: {  	s3 =	sadd.s32 s3, s9;
	s6 =	sadd.s32 @!p0 $0x88, s6;
	s7 =	simm.s32 @p2 $0x1082  }
0x22: {  	[simem:s7], [sflag:s8] =	dma.local @!p0 [hbm:s6], $0xF7A  }
0x23: {  	s9 =	sor.u32 $0xD0000000, s2;
	s6 =	simm.s32 $0x108;
	_ =	swait.ge @!p0 [sflag:s8], $0x0  }
0x24: {  	s3 =	sadd.s32 $0x88, s3;
	s6 =	simm.s32 @!p1 $0x1082;
	[sflag:s4] =	ssyncset.s32 $0xFFFFF086  }
0x25: {  	[simem:s6], [sflag:s4] =	dma.local [hbm:s3], $0xF7A  }
0x26: {  	[smem:$0x3F99] =	sst s1;
	(tag) =	ssettag s2;
	_ =	strace s9  }
0x27: {  	s1 =	sld [smem:$0x3FA9]  }
0x28: {  	s2 =	sld [smem:$0x3FAA]  }
0x29: {  	s4 =	sld [smem:$0x3FAC]  }
0x2a: {  	p0 =	seq.s32 s5, $0x0;
	s5 =	sld [smem:$0x3FAD]  }
0x2b: {  	s6 =	sld [smem:$0x3FAE]  }
0x2c: {  	s7 =	sld [smem:$0x3FAF]  }
0x2d: {  	s3 =	simm.s32 $0x108;
	s8 =	sld [smem:$0x3FB0]  }
0x2e: {  	s3 =	simm.s32 @!p0 $0x1082;
	s9 =	sld [smem:$0x3FB1]  }
0x2f: {  	lr =	sadd.s32 s0, s3;
	s0 =	sld [smem:$0x3FA8]  }
0x30: {  	s3 =	sld [smem:$0x3FAB]  }
0x31: {  	[smem:$0x3FB4] =	sst s10  }
0x32: {  	s10 =	sld [smem:$0x3FB2];
	_ =	sdelay $0x3  }
0x33: {  	p0 =	seq.s32 s10, $0x1;
	s10 =	sld [smem:$0x3FB4];
	_ =	sdelay $0x3  }
0x34: {  	[smem:$0x3FB4] =	sst s10  }
0x35: {  	s10 =	sld [smem:$0x3FB3];
	_ =	sdelay $0x3  }
0x36: {  	p1 =	seq.s32 s10, $0x1;
	s10 =	sld [smem:$0x3FB4];
	_ =	sdelay $0x3  }
0x37: {  	[smem:$0x3FB4] =	sst s10  }
0x38: {  	s10 =	sld [smem:$0x3FB5]  }
0x39: {  	_ = 	snop;
	(pc) =	sbr.ind lr, $3  }
0x3a: {  	_ = 	snop  }
0x3b: {  	_ = 	snop  }
0x3c: {  	p2 =	seq.s32 s10, $0x1;
	s10 =	sld [smem:$0x3FB4]  }
0x3d: {  	_ =	shalt  }
0x3e: {  	_ =	shalt  }
0x3f: {  	_ =	shalt  }
0x40: {  	_ =	shalt  }
0x41: {  	_ =	shalt  }
0x42: {  	_ =	shalt  }
0x43: {  	_ =	shalt  }
0x44: {  	_ =	shalt  }
0x45: {  	_ =	shalt  }
0x46: {  	_ =	shalt  }
0x47: {  	_ =	shalt  }
0x48: {  	_ =	shalt  }
0x49: {  	_ =	shalt  }
0x4a: {  	_ =	shalt  }
0x4b: {  	_ =	shalt  }
0x4c: {  	_ =	shalt  }
0x4d: {  	_ =	shalt  }
0x4e: {  	_ =	shalt  }
0x4f: {  	_ =	shalt  }
0x50: {  	_ =	shalt  }
0x51: {  	_ =	shalt  }
0x52: {  	_ =	shalt  }
0x53: {  	_ =	shalt  }
0x54: {  	_ =	shalt  }
0x55: {  	_ =	shalt  }
0x56: {  	_ =	shalt  }
0x57: {  	_ =	shalt  }
0x58: {  	_ =	shalt  }
0x59: {  	_ =	shalt  }
0x5a: {  	_ =	shalt  }
0x5b: {  	_ =	shalt  }
0x5c: {  	_ =	shalt  }
0x5d: {  	_ =	shalt  }
0x5e: {  	_ =	shalt  }
0x5f: {  	_ =	shalt  }
0x60: {  	_ =	shalt  }
0x61: {  	_ =	shalt  }
0x62: {  	_ =	shalt  }
0x63: {  	_ =	shalt  }
0x64: {  	_ =	shalt  }
0x65: {  	_ =	shalt  }
0x66: {  	_ =	shalt  }
0x67: {  	_ =	shalt  }
0x68: {  	_ =	shalt  }
0x69: {  	_ =	shalt  }
0x6a: {  	_ =	shalt  }
0x6b: {  	_ =	shalt  }
0x6c: {  	_ =	shalt  }
0x6d: {  	_ =	shalt  }
0x6e: {  	_ =	shalt  }
0x6f: {  	_ =	shalt  }
0x70: {  	_ =	shalt  }
0x71: {  	_ =	shalt  }
0x72: {  	_ =	shalt  }
0x73: {  	_ =	shalt  }
0x74: {  	_ =	shalt  }
0x75: {  	_ =	shalt  }
0x76: {  	_ =	shalt  }
0x77: {  	_ =	shalt  }
0x78: {  	_ =	shalt  }
0x79: {  	_ =	shalt  }
0x7a: {  	_ =	shalt  }
0x7b: {  	_ =	shalt  }
0x7c: {  	_ =	shalt  }
0x7d: {  	_ =	shalt  }
0x7e: {  	_ =	shalt  }
0x7f: {  	_ =	shalt  }
0x80: {  	_ =	shalt  }
0x81: {  	_ =	shalt  }
0x82: {  	_ =	shalt  }
0x83: {  	_ =	shalt  }
0x84: {  	_ =	shalt  }
0x85: {  	_ =	shalt  }
0x86: {  	_ =	shalt  }
0x87: {  	_ =	shalt  }
.Lfunc_end0:
.L_simem_size_0:
called_computation.1_lowered:
.L_overlay_start_0:
0x88: {  	s2 =	sld [smem:$0x3FD9]  }
0x89: {  	s3 =	sld [smem:$0x3FFE];
	_ =	sdelay $0x1  }
0x8a: {  	s1 =	srdreg.scid  }
0x8b: {  	s0 =	sand.u32 $0x1, s1  }
0x8c: {  	s17 =	sshll.u32 s0, $0xA;
	s2 =	sadd.s32 s3, s2  }
0x8d: {  	s2 =	sadd.s32 s2, s17  }
0x8e: {  	[smem:$0x3FC0] =	sst s2  }
0x8f: {  	_ = 	snop  }
0x90: {  	s2 =	sld [smem:$0x3FD0];
	(tm) =	ssettm $0x1  }
0x91: {  	s18 =	sld [smem:$0x3FFB];
	_ =	sdelay $0x3  }
0x92: {  	_ =	strace s18  }
0x93: {  	s3 =	sld [smem:$0x3FFC];
	_ =	sdelay $0x3  }
0x94: {  	_ =	strace s3  }
0x95: {  	s3 =	sld [smem:$0x3FFD];
	_ =	sdelay $0x3  }
0x96: {  	_ =	strace s3  }
0x97: {  	_ =	strace $0x8FFFFFFF  }
0x98: {  	s19 =	sld [smem:$0x3FDB];
	_ =	sdelay $0x1  }
0x99: {  	s4 =	simm.s32 $_scs_section_size  }
0x9a: {  	s5 =	simm.s32 $_size__tile_overlayer_lowered;
	s6 =	simm.s32 $_tile_overlayer_lowered  }
0x9b: {  	s22 =	simm.s32 $0x1BFF;
	s21 =	sshll.u32 s6, $0x1;
	s3 =	sadd.s32 s4, s19  }
0x9c: {  	s7 =	simm.s32 $0x0;
	s20 =	sshll.u32 s5, $0x1;
	s5 =	sadd.s32 s21, s3  }
0x9d: {  	[timem:s7], [sflag:s22] =	dma.local [hbm:s5], s20  }
0x9e: {  	_ =	swait.ge [sflag:s22], s20  }
0x9f: {  	s4 =	ssub.s32 $0x0, s20;
	[sflag:s22] =	ssyncset.done $0x0  }
0xa0: {  	[sflag:s22] =	ssyncadd.s32 s4;
	_ =	sdelay $0x1  }
0xa1: {  	s23 =	simm.s32 $0x1B8B  }
0xa2: {  	_ =	swait.ge [sflag:s23], $0x1  }
0xa3: {  	[sflag:s23] =	ssyncset.done $0x0  }
0xa4: {  	s25 =	simm.s32 $0x1B8E;
	s24 =	sld [smem:$0x3FFE];
	[sflag:s23] =	ssyncadd.s32 $0xFFFFFFFF  }
0xa5: {  	s26 =	simm.s32 $execute0_lowered;
	[smem:$0x3FD2] =	sst s25  }
0xa6: {  	s5 =	sshll.u32 s26, $0x1;
	_ =	strace $0x80000049;
	[dreg:$0x1] =	wrdreg $0xFFFFFFFF  }
0xa7: {  	s28 =	simm.s32 $_size_execute0_lowered;
	s3 =	sadd.s32 s3, s5;
	[dreg:$0x0] =	wrdreg $0x0  }
0xa8: {  	s5 =	sshll.u32 s28, $0x1;
	[dreg:$0x2] =	wrdreg s3  }
0xa9: {  	[dreg:$0x3] =	wrdreg s5  }
0xaa: {  	[dreg:$0x4] =	wrdreg $0xC0  }
0xab: {  	_ =	task [dreg:s7], $0x5FFFF  }
0xac: {  	[dreg:$0x1] =	wrdreg $0xFFFFFFFF  }
0xad: {  	[dreg:$0x0] =	wrdreg $0x60  }
0xae: {  	[dreg:$0x2] =	wrdreg s24  }
0xaf: {  	[dreg:$0x3] =	wrdreg s2  }
0xb0: {  	[dreg:$0x4] =	wrdreg $0x90000  }
0xb1: {  	[dreg:$0x5] =	wrdreg $0x9  }
0xb2: {  	_ =	task.clear_ibuf [dreg:s7], $0x6FFFF;
	_ =	strace $0x90000049  }
0xb3: {  	s29 =	simm.s32 $0x9;
	_ =	strace $0x8000004B  }
0xb4: {  	_ =	swait.ge [sflag:s29], $0x1  }
0xb5: {  	[sflag:s29] =	ssyncadd.s32 $0xFFFFFFFF  }
0xb6: {  	_ =	strace $0x9000004B  }
0xb7: {  	_ =	sfence  }
0xb8: {  	s30 =	sld [smem:$0x0];
	_ =	sdelay $0x2  }
0xb9: {  	s31 =	sshll.u32 s1, $0xD;
	s1 =	sshrl.u32 s1, $0x2  }
0xba: {  	s3 =	sand.u32 $0x4000, s31;
	s1 =	sadd.s32 s1, s30  }
0xbb: {  	s0 =	sor.u32 s3, s0;
	s1 =	sshll.u32 s1, $0x11  }
0xbc: {  	s0 =	sor.u32 s1, s0  }
0xbd: {  	s0 =	sadd.s32 $0x8F2B, s0  }
0xbe: {  	[sflag:s0] =	ssyncadd.remote.s32 $0x1  }
0xbf: {  	_ =	sfence.sel $0xFFFF  }
0xc0: {  	[dreg:$0x0] =	wrdreg $0xFFFFFFFF;
	(pc) =	sbr.abs _section_cstart, $3  }
0xc1: {  	[dreg:$0x1] =	wrdreg $0xFFFFFFFF  }
0xc2: {  	_ =	task.clear_ibuf [dreg:s7], $0x2FFFF;
	_ =	strace $0x9FFFFFFF  }
0xc3: {  	(tm) =	ssettm $0x7FFFFFFF  }
tec
execute0_lowered:
.L_overlay_start_1:
0x0: {  	(tag) =	ssettag $0x1  }
0x1: {  	s1 =	srdreg.scid;
	s6 =	rddreg [dreg:$0x0]  }
0x2: {  	s0 =	stileid.u32;
	s8 =	rddreg [dreg:$0x1]  }
0x3: {  	s2 =	rddreg [dreg:$0x2];
	s3 =	simm.s32 $0x0;
	s14 =	simm.s32 $0x80  }
0x4: {  	s15 =	simm.s32 $0x5000;
	s16 =	simm.s32 $0x1;
	s17 =	simm.s32 $0x0  }
0x5: {  	s7 =	sand.u32 $0x1, s1;
	s29 =	sshll.u32 s0, $0x1;
	s10 =	smul.u32 $0x14000, s0  }
0x6: {  	[smem:$0x7FF] =	sst s3;
	s4 =	sadd.s32 $0xEA00, s6;
	s12 =	smul.u32 $0x50000, s0  }
0x7: {  	s31 =	sshll.u32 s0, $0x6;
	s1 =	sor.u32 s7, s29;
	s5 =	smul.u32 $0x140000, s7  }
0x8: {  	s7 =	ssub.s32 $0x2, s7;
	s9 =	smul.u32 $0x500, s1;
	s1 =	rddreg [dreg:$0x3]  }
0x9: {  	_ =	strace $0x8000004A;
	s30 =	sshrl.u32 s7, $0x1;
	s12 =	sshrl.u32 s12, $0x2  }
0xa: {  	s10 =	sadd.s32 s10, s5;
	s5 =	sadd.s32 $0xC200, s6;
	s13 =	ssub.s32 s7, s30  }
0xb: {  	s12 =	sadd.s32 s12, s2;
	s11 =	sadd.s32 s9, s6;
	s10 =	sshrl.u32 s10, $0x3  }
0xc: {  	s7 =	sadd.s32 s8, s9;
	s10 =	sadd.s32 s10, s6;
	s6 =	sor.u32 $0x1C02, s31  }
0xd: {  	s8 =	sadd.s32 $0x2200, s11;
	s11 =	sshrl.u32 s12, $0x3;
	s12 =	simm.s32 $0x2  }
0xe: {  	s9 =	sadd.s32 $0x36A00, s10;
	s10 =	smax.u32 s13, $0x1;
	s13 =	simm.s32 $0x2800  }
.LBB2_1:
0xf: {  	[spmem:s11], [sflag:s6] =	dma.local [hbm:s5], $0x2800  }
0x10: {  	_ =	swait.ge [sflag:s12], $0x2800  }
0x11: {  	[sflag:s12] =	ssyncset.done $0x0  }
0x12: {  	[sflag:s12] =	ssyncadd.s32 $0xFFFFD800  }
0x13: {  	[tilespmem:s3], [sflag:$0x2] =	stream.linear.gather [hbm4b:s7+s3], $0x2780, $0x38;
	[tilespmem:$0x1D000] =	vst v63  }
0x14: {  	_ =	swait.ge [sflag:s12], $0x2780  }
0x15: {  	[sflag:s12] =	ssyncset.done $0x0  }
0x16: {  	[sflag:s12] =	ssyncadd.s32 $0xFFFFD880  }
0x17: {  	[tilespmem:s13], [sflag:$0x2] =	stream.linear.gather [hbm4b:s8+s3], $0x2780, $0x38;
	[tilespmem:$0x1D000] =	vst v63  }
0x18: {  	_ =	swait.ge [sflag:s12], $0x2780  }
0x19: {  	[sflag:s12] =	ssyncset.done $0x0  }
0x1a: {  	[sflag:s12] =	ssyncadd.s32 $0xFFFFD880  }
0x1b: {  	s18 =	simm.s32 $0x0;
	[bflag:$0x0] =	sbarrier.arrive $0xFFFF  }
0x1c: {  	[tilespmem:s15], [sflag:$0x1] =	stream.indirect.gather [hbm4b:s4+s14], $0x80, s18, s14, $0xb8;
	[tilespmem:$0x1D000] =	vst v63  }
0x1d: {  	_ =	swait.ge [sflag:s16], $0x4000  }
0x1e: {  	[sflag:s16] =	ssyncset.done $0x0  }
0x1f: {  	s31 =	simm.s32 $0x2800;
	[sflag:s16] =	ssyncadd.s32 $0xFFFFC000  }
0x20: {  	[spmem:s2] =	stream.indirect.scatter.add.f32 [tilespmem:s15], [sflag:$0x2], $0x80, s31, s14, $0xb8;
	[tilespmem:$0x1D000] =	vst v63  }
0x21: {  	_ =	swait.ge [sflag:s12], $0x4000  }
0x22: {  	s19 =	simm.s32 $0x400;
	s18 =	simm.s32 $0x200;
	[sflag:s12] =	ssyncset.done $0x0  }
.LBB2_2:
0x23: {  	s20 =	sshra.s32 s18, $0x2  }
0x24: {  	[sflag:s12] =	ssyncadd.s32 $0xFFFFC000;
	s18 =	smov.u32 s19;
	s21 =	sadd.s32 $0x200, s19  }
0x25: {  	[tilespmem:s15], [sflag:$0x1] =	stream.indirect.gather [hbm4b:s4+s14], $0x80, s20, s14, $0xb8;
	[tilespmem:$0x1D000] =	vst v63  }
0x26: {  	p0 =	sne.s32 s19, $0x9C00;
	_ =	swait.ge [sflag:s16], $0x4000  }
.Ltmp0:
0x27: {  	[sflag:s16] =	ssyncset.done $0x0;
	(pc) =	sbr.rel @p0 .LBB2_2-.Ltmp0, $4  }
0x28: {  	s19 =	sadd.s32 $0x2800, s20;
	[sflag:s16] =	ssyncadd.s32 $0xFFFFC000  }
0x29: {  	[spmem:s2] =	stream.indirect.scatter.add.f32 [tilespmem:s15], [sflag:$0x2], $0x80, s19, s14, $0xb8;
	[tilespmem:$0x1D000] =	vst v63  }
0x2a: {  	_ =	swait.ge [sflag:s12], $0x4000  }
0x2b: {  	s19 =	smov.u32 s21;
	[sflag:s12] =	ssyncset.done $0x0  }
0x2c: {  	s18 =	sshra.s32 s18, $0x2;
	[sflag:s12] =	ssyncadd.s32 $0xFFFFC000  }
0x2d: {  	[tilespmem:s15], [sflag:$0x1] =	stream.indirect.gather [hbm4b:s4+s14], $0x80, s18, s14, $0xb8;
	[tilespmem:$0x1D000] =	vst v63  }
0x2e: {  	_ =	swait.ge [sflag:s16], $0x4000  }
0x2f: {  	[sflag:s16] =	ssyncset.done $0x0  }
0x30: {  	s18 =	sadd.s32 $0x2800, s18;
	[sflag:s16] =	ssyncadd.s32 $0xFFFFC000  }
0x31: {  	[spmem:s2] =	stream.indirect.scatter.add.f32 [tilespmem:s15], [sflag:$0x2], $0x80, s18, s14, $0xb8;
	[tilespmem:$0x1D000] =	vst v63  }
0x32: {  	_ =	swait.ge [sflag:s12], $0x4000  }
0x33: {  	s17 =	sadd.s32 $0x1, s17;
	[sflag:s12] =	ssyncset.done $0x0  }
0x34: {  	p0 =	sne.s32 s17, s10;
	[sflag:s12] =	ssyncadd.s32 $0xFFFFC000  }
.Ltmp1:
0x35: {  	[bflag:$0x0] =	sbarrier.arrive $0xFFFF;
	(pc) =	sbr.rel @p0 .LBB2_1-.Ltmp1, $4  }
0x36: {  	[hbm:s9], [sflag:s6] =	dma.local [spmem:s11], $0x2800  }
0x37: {  	_ =	swait.ge [sflag:s12], $0x2800  }
0x38: {  	[sflag:s12] =	ssyncset.done $0x0  }
0x39: {  	[sflag:s12] =	ssyncadd.s32 $0xFFFFD800  }
0x3a: {  	_ =	sfence.sel $0x180000  }
0x3b: {  	[bflag:$0x0] =	sbarrier.arrive $0xFFFF  }
0x3c: {  	p0 =	sne.s32 s0, $0x0;
	_ =	strace $0x9000004A  }
0x3d: {  	s0 =	sadd.s32 @!p0 $0x100000, s1;
	[bflag:$0x2] =	sbarrier.arrive $0xFFFF  }
0x3e: {  	[sflag:s0] =	ssyncadd.tile.s32 @!p0 $0x1;
	_ =	shalt  }
.Lfunc_end2:
_tile_overlayer_lowered:
.L_overlay_start_2:
0x3f: {  	(tag) =	ssettag $0x2  }
0x40: {  	s0 =	rddreg [dreg:$0x0];
	s2 =	stileid.u32  }
0x41: {  	s1 =	rddreg [dreg:$0x1];
	p0 =	sne.s32 s2, $0x0  }
0x42: {  	s3 =	rddreg [dreg:$0x2];
	[bflag:$0x3] =	sbarrier.arrive $0xFFFF;
	s2 =	simm.s32 @!p0 $0x1C02  }
0x43: {  	[timem:s3], [sflag:s2] =	dma.local @!p0 [hbm:s0], s1  }
0x44: {  	s0 =	simm.s32 @!p0 $0x2  }
0x45: {  	_ =	swait.ge @!p0 [sflag:s0], s1  }
0x46: {  	s1 =	ssub.s32 @!p0 $0x0, s1;
	[sflag:s0] =	ssyncset.done @!p0 $0x0  }
0x47: {  	[sflag:s0] =	ssyncadd.s32 @!p0 s1  }
0x48: {  	[bflag:$0x3] =	sbarrier.arrive $0xFFFF  }
0x49: {  	_ =	shalt  }

// kernel: kernel.17.cloned.1.call-start
scs
__scs_entry_jumppad:
0x0: {  	(pc) =	sbr.rel $0x88, $3  }
0x1: {  	(tag) =	ssettag $0x0;
	lr =	simm.s32 $0x1  }
0x2: {  	[smem:$0x3F99] =	sst lr;
	_ =	strace $0xD0000000  }
0x3: {  	_ = 	snop  }
0x4: {  	_ = 	snop  }
0x5: {  	_ = 	snop  }
0x6: {  	_ = 	snop  }
0x7: {  	_ = 	snop  }
__scs_overlays_trampoline_lowered:
0x8: {  	[smem:$0x3FA8] =	sst s0  }
0x9: {  	[smem:$0x3FA9] =	sst s1  }
0xa: {  	[smem:$0x3FAA] =	sst s2  }
0xb: {  	[smem:$0x3FAB] =	sst s3  }
0xc: {  	[smem:$0x3FAC] =	sst s4  }
0xd: {  	[smem:$0x3FAD] =	sst s5  }
0xe: {  	[smem:$0x3FAE] =	sst s6  }
0xf: {  	[smem:$0x3FAF] =	sst s7  }
0x10: {  	[smem:$0x3FB0] =	sst s8  }
0x11: {  	[smem:$0x3FB1] =	sst s9;
	s0 =	simm.s32 @!p0 $0x0  }
0x12: {  	s1 =	sld [smem:$0x3F97];
	s0 =	simm.s32 @p0 $0x1  }
0x13: {  	[smem:$0x3FB2] =	sst s0;
	s0 =	simm.s32 @!p1 $0x0  }
0x14: {  	s2 =	sld [smem:$0x3F96];
	s0 =	simm.s32 @p1 $0x1  }
0x15: {  	[smem:$0x3FB3] =	sst s0;
	s0 =	simm.s32 @!p2 $0x0  }
0x16: {  	s3 =	sld [smem:$0x3FDB];
	s0 =	simm.s32 @p2 $0x1  }
0x17: {  	s4 =	simm.s32 $0x1BF5;
	[smem:$0x3FB5] =	sst s0  }
0x18: {  	s0 =	sld [smem:$0x3F98];
	_ =	swait.ge [sflag:s4], $0x0  }
0x19: {  	s7 =	sld [smem:$0x3F99]  }
0x1a: {  	s8 =	sadd.s32 $0xFFFFE003, lr  }
0x1b: {  	s9 =	sadd.s32 $0xFFFFFEF7, lr;
	s5 =	simm.s32 $0xFFFFFFFF;
	p2 =	slt.u32 s8, $0xFFFFF086  }
0x1c: {  	p1 =	slt.u32 s9, $0xF7A;
	s5 =	simm.s32 @!p2 $0x0  }
0x1d: {  	s5 =	simm.s32 @p1 $0x1;
	p0 =	seq.s32 s7, s2  }
0x1e: {  	s7 =	smul.u32 @!p0 $0xF7A, s2;
	p2 =	seq.s32 @!p0 s5, $0x0  }
0x1f: {  	s9 =	smul.u32 $0xF7A, s1;
	s8 =	simm.s32 @!p0 $0x1BF5;
	p2 =	por !p2, p0  }
0x20: {  	[sflag:s8] =	ssyncset.s32 @!p0 $0xFFFFF086;
	s6 =	sadd.s32 @!p0 s3, s7;
	s7 =	simm.s32 @!p0 $0x108  }
0x21: {  	s3 =	sadd.s32 s3, s9;
	s6 =	sadd.s32 @!p0 $0x88, s6;
	s7 =	simm.s32 @p2 $0x1082  }
0x22: {  	[simem:s7], [sflag:s8] =	dma.local @!p0 [hbm:s6], $0xF7A  }
0x23: {  	s9 =	sor.u32 $0xD0000000, s2;
	s6 =	simm.s32 $0x108;
	_ =	swait.ge @!p0 [sflag:s8], $0x0  }
0x24: {  	s3 =	sadd.s32 $0x88, s3;
	s6 =	simm.s32 @!p1 $0x1082;
	[sflag:s4] =	ssyncset.s32 $0xFFFFF086  }
0x25: {  	[simem:s6], [sflag:s4] =	dma.local [hbm:s3], $0xF7A  }
0x26: {  	[smem:$0x3F99] =	sst s1;
	(tag) =	ssettag s2;
	_ =	strace s9  }
0x27: {  	s1 =	sld [smem:$0x3FA9]  }
0x28: {  	s2 =	sld [smem:$0x3FAA]  }
0x29: {  	s4 =	sld [smem:$0x3FAC]  }
0x2a: {  	p0 =	seq.s32 s5, $0x0;
	s5 =	sld [smem:$0x3FAD]  }
0x2b: {  	s6 =	sld [smem:$0x3FAE]  }
0x2c: {  	s7 =	sld [smem:$0x3FAF]  }
0x2d: {  	s3 =	simm.s32 $0x108;
	s8 =	sld [smem:$0x3FB0]  }
0x2e: {  	s3 =	simm.s32 @!p0 $0x1082;
	s9 =	sld [smem:$0x3FB1]  }
0x2f: {  	lr =	sadd.s32 s0, s3;
	s0 =	sld [smem:$0x3FA8]  }
0x30: {  	s3 =	sld [smem:$0x3FAB]  }
0x31: {  	[smem:$0x3FB4] =	sst s10  }
0x32: {  	s10 =	sld [smem:$0x3FB2];
	_ =	sdelay $0x3  }
0x33: {  	p0 =	seq.s32 s10, $0x1;
	s10 =	sld [smem:$0x3FB4];
	_ =	sdelay $0x3  }
0x34: {  	[smem:$0x3FB4] =	sst s10  }
0x35: {  	s10 =	sld [smem:$0x3FB3];
	_ =	sdelay $0x3  }
0x36: {  	p1 =	seq.s32 s10, $0x1;
	s10 =	sld [smem:$0x3FB4];
	_ =	sdelay $0x3  }
0x37: {  	[smem:$0x3FB4] =	sst s10  }
0x38: {  	s10 =	sld [smem:$0x3FB5]  }
0x39: {  	_ = 	snop;
	(pc) =	sbr.ind lr, $3  }
0x3a: {  	_ = 	snop  }
0x3b: {  	_ = 	snop  }
0x3c: {  	p2 =	seq.s32 s10, $0x1;
	s10 =	sld [smem:$0x3FB4]  }
0x3d: {  	_ =	shalt  }
0x3e: {  	_ =	shalt  }
0x3f: {  	_ =	shalt  }
0x40: {  	_ =	shalt  }
0x41: {  	_ =	shalt  }
0x42: {  	_ =	shalt  }
0x43: {  	_ =	shalt  }
0x44: {  	_ =	shalt  }
0x45: {  	_ =	shalt  }
0x46: {  	_ =	shalt  }
0x47: {  	_ =	shalt  }
0x48: {  	_ =	shalt  }
0x49: {  	_ =	shalt  }
0x4a: {  	_ =	shalt  }
0x4b: {  	_ =	shalt  }
0x4c: {  	_ =	shalt  }
0x4d: {  	_ =	shalt  }
0x4e: {  	_ =	shalt  }
0x4f: {  	_ =	shalt  }
0x50: {  	_ =	shalt  }
0x51: {  	_ =	shalt  }
0x52: {  	_ =	shalt  }
0x53: {  	_ =	shalt  }
0x54: {  	_ =	shalt  }
0x55: {  	_ =	shalt  }
0x56: {  	_ =	shalt  }
0x57: {  	_ =	shalt  }
0x58: {  	_ =	shalt  }
0x59: {  	_ =	shalt  }
0x5a: {  	_ =	shalt  }
0x5b: {  	_ =	shalt  }
0x5c: {  	_ =	shalt  }
0x5d: {  	_ =	shalt  }
0x5e: {  	_ =	shalt  }
0x5f: {  	_ =	shalt  }
0x60: {  	_ =	shalt  }
0x61: {  	_ =	shalt  }
0x62: {  	_ =	shalt  }
0x63: {  	_ =	shalt  }
0x64: {  	_ =	shalt  }
0x65: {  	_ =	shalt  }
0x66: {  	_ =	shalt  }
0x67: {  	_ =	shalt  }
0x68: {  	_ =	shalt  }
0x69: {  	_ =	shalt  }
0x6a: {  	_ =	shalt  }
0x6b: {  	_ =	shalt  }
0x6c: {  	_ =	shalt  }
0x6d: {  	_ =	shalt  }
0x6e: {  	_ =	shalt  }
0x6f: {  	_ =	shalt  }
0x70: {  	_ =	shalt  }
0x71: {  	_ =	shalt  }
0x72: {  	_ =	shalt  }
0x73: {  	_ =	shalt  }
0x74: {  	_ =	shalt  }
0x75: {  	_ =	shalt  }
0x76: {  	_ =	shalt  }
0x77: {  	_ =	shalt  }
0x78: {  	_ =	shalt  }
0x79: {  	_ =	shalt  }
0x7a: {  	_ =	shalt  }
0x7b: {  	_ =	shalt  }
0x7c: {  	_ =	shalt  }
0x7d: {  	_ =	shalt  }
0x7e: {  	_ =	shalt  }
0x7f: {  	_ =	shalt  }
0x80: {  	_ =	shalt  }
0x81: {  	_ =	shalt  }
0x82: {  	_ =	shalt  }
0x83: {  	_ =	shalt  }
0x84: {  	_ =	shalt  }
0x85: {  	_ =	shalt  }
0x86: {  	_ =	shalt  }
0x87: {  	_ =	shalt  }
.Lfunc_end0:
.L_simem_size_0:
called_computation.2_lowered:
.L_overlay_start_0:
0x88: {  	s2 =	sld [smem:$0x3FD9]  }
0x89: {  	s3 =	sld [smem:$0x3FFE];
	_ =	sdelay $0x1  }
0x8a: {  	s1 =	srdreg.scid  }
0x8b: {  	s0 =	sand.u32 $0x1, s1  }
0x8c: {  	s17 =	sshll.u32 s0, $0xA;
	s2 =	sadd.s32 s3, s2  }
0x8d: {  	s2 =	sadd.s32 s2, s17  }
0x8e: {  	[smem:$0x3FC0] =	sst s2  }
0x8f: {  	_ = 	snop  }
0x90: {  	s2 =	sld [smem:$0x3FD0];
	(tm) =	ssettm $0x1  }
0x91: {  	s18 =	sld [smem:$0x3FFB];
	_ =	sdelay $0x3  }
0x92: {  	_ =	strace s18  }
0x93: {  	s3 =	sld [smem:$0x3FFC];
	_ =	sdelay $0x3  }
0x94: {  	_ =	strace s3  }
0x95: {  	s3 =	sld [smem:$0x3FFD];
	_ =	sdelay $0x3  }
0x96: {  	_ =	strace s3  }
0x97: {  	_ =	strace $0x8FFFFFFF  }
0x98: {  	s19 =	sld [smem:$0x3FDB];
	_ =	sdelay $0x1  }
0x99: {  	s4 =	simm.s32 $_scs_section_size  }
0x9a: {  	s5 =	simm.s32 $_size__tile_overlayer_lowered;
	s6 =	simm.s32 $_tile_overlayer_lowered  }
0x9b: {  	s22 =	simm.s32 $0x1BFF;
	s21 =	sshll.u32 s6, $0x1;
	s3 =	sadd.s32 s4, s19  }
0x9c: {  	s7 =	simm.s32 $0x0;
	s20 =	sshll.u32 s5, $0x1;
	s5 =	sadd.s32 s21, s3  }
0x9d: {  	[timem:s7], [sflag:s22] =	dma.local [hbm:s5], s20  }
0x9e: {  	_ =	swait.ge [sflag:s22], s20  }
0x9f: {  	s4 =	ssub.s32 $0x0, s20;
	[sflag:s22] =	ssyncset.done $0x0  }
0xa0: {  	[sflag:s22] =	ssyncadd.s32 s4;
	_ =	sdelay $0x1  }
0xa1: {  	s23 =	simm.s32 $0x1B8B  }
0xa2: {  	_ =	swait.ge [sflag:s23], $0x1  }
0xa3: {  	[sflag:s23] =	ssyncset.done $0x0  }
0xa4: {  	s25 =	simm.s32 $0x1B8E;
	s24 =	sld [smem:$0x3FFE];
	[sflag:s23] =	ssyncadd.s32 $0xFFFFFFFF  }
0xa5: {  	s26 =	simm.s32 $execute0_lowered;
	[smem:$0x3FD2] =	sst s25  }
0xa6: {  	s5 =	sshll.u32 s26, $0x1;
	_ =	strace $0x8000004C;
	[dreg:$0x1] =	wrdreg $0xFFFFFFFF  }
0xa7: {  	s28 =	simm.s32 $_size_execute0_lowered;
	s3 =	sadd.s32 s3, s5;
	[dreg:$0x0] =	wrdreg $0x0  }
0xa8: {  	s5 =	sshll.u32 s28, $0x1;
	[dreg:$0x2] =	wrdreg s3  }
0xa9: {  	[dreg:$0x3] =	wrdreg s5  }
0xaa: {  	[dreg:$0x4] =	wrdreg $0xC0  }
0xab: {  	_ =	task [dreg:s7], $0x5FFFF  }
0xac: {  	[dreg:$0x1] =	wrdreg $0xFFFFFFFF  }
0xad: {  	[dreg:$0x0] =	wrdreg $0x60  }
0xae: {  	[dreg:$0x2] =	wrdreg s24  }
0xaf: {  	[dreg:$0x3] =	wrdreg s2  }
0xb0: {  	[dreg:$0x4] =	wrdreg $0x90000  }
0xb1: {  	[dreg:$0x5] =	wrdreg $0x9  }
0xb2: {  	_ =	task.clear_ibuf [dreg:s7], $0x6FFFF;
	_ =	strace $0x9000004C  }
0xb3: {  	s29 =	simm.s32 $0x9;
	_ =	strace $0x8000004E  }
0xb4: {  	_ =	swait.ge [sflag:s29], $0x1  }
0xb5: {  	[sflag:s29] =	ssyncadd.s32 $0xFFFFFFFF  }
0xb6: {  	_ =	strace $0x9000004E  }
0xb7: {  	_ =	sfence  }
0xb8: {  	s30 =	sld [smem:$0x0];
	_ =	sdelay $0x2  }
0xb9: {  	s31 =	sshll.u32 s1, $0xD;
	s1 =	sshrl.u32 s1, $0x2  }
0xba: {  	s3 =	sand.u32 $0x4000, s31;
	s1 =	sadd.s32 s1, s30  }
0xbb: {  	s0 =	sor.u32 s3, s0;
	s1 =	sshll.u32 s1, $0x11  }
0xbc: {  	s0 =	sor.u32 s1, s0  }
0xbd: {  	s0 =	sadd.s32 $0x8F2B, s0  }
0xbe: {  	[sflag:s0] =	ssyncadd.remote.s32 $0x1  }
0xbf: {  	_ =	sfence.sel $0xFFFF  }
0xc0: {  	[dreg:$0x0] =	wrdreg $0xFFFFFFFF;
	(pc) =	sbr.abs _section_cstart, $3  }
0xc1: {  	[dreg:$0x1] =	wrdreg $0xFFFFFFFF  }
0xc2: {  	_ =	task.clear_ibuf [dreg:s7], $0x2FFFF;
	_ =	strace $0x9FFFFFFF  }
0xc3: {  	(tm) =	ssettm $0x7FFFFFFF  }
tec
execute0_lowered:
.L_overlay_start_1:
0x0: {  	(tag) =	ssettag $0x1  }
0x1: {  	s1 =	srdreg.scid;
	s6 =	rddreg [dreg:$0x0]  }
0x2: {  	s0 =	stileid.u32;
	s8 =	rddreg [dreg:$0x1]  }
0x3: {  	s2 =	rddreg [dreg:$0x2];
	s3 =	simm.s32 $0x0;
	s14 =	simm.s32 $0x80  }
0x4: {  	s15 =	simm.s32 $0x5000;
	s16 =	simm.s32 $0x1;
	s17 =	simm.s32 $0x0  }
0x5: {  	s7 =	sand.u32 $0x1, s1;
	s29 =	sshll.u32 s0, $0x1;
	s10 =	smul.u32 $0x14000, s0  }
0x6: {  	[smem:$0x7FF] =	sst s3;
	s4 =	sadd.s32 $0xEA00, s6;
	s12 =	smul.u32 $0x50000, s0  }
0x7: {  	s31 =	sshll.u32 s0, $0x6;
	s1 =	sor.u32 s7, s29;
	s5 =	smul.u32 $0x140000, s7  }
0x8: {  	s7 =	ssub.s32 $0x2, s7;
	s9 =	smul.u32 $0x500, s1;
	s1 =	rddreg [dreg:$0x3]  }
0x9: {  	_ =	strace $0x8000004D;
	s30 =	sshrl.u32 s7, $0x1;
	s12 =	sshrl.u32 s12, $0x2  }
0xa: {  	s10 =	sadd.s32 s10, s5;
	s5 =	sadd.s32 $0xC200, s6;
	s13 =	ssub.s32 s7, s30  }
0xb: {  	s12 =	sadd.s32 s12, s2;
	s11 =	sadd.s32 s9, s6;
	s10 =	sshrl.u32 s10, $0x3  }
0xc: {  	s7 =	sadd.s32 s8, s9;
	s10 =	sadd.s32 s10, s6;
	s6 =	sor.u32 $0x1C02, s31  }
0xd: {  	s8 =	sadd.s32 $0x2200, s11;
	s11 =	sshrl.u32 s12, $0x3;
	s12 =	simm.s32 $0x2  }
0xe: {  	s9 =	sadd.s32 $0x36A00, s10;
	s10 =	smax.u32 s13, $0x1;
	s13 =	simm.s32 $0x2800  }
.LBB2_1:
0xf: {  	[spmem:s11], [sflag:s6] =	dma.local [hbm:s5], $0x2800  }
0x10: {  	_ =	swait.ge [sflag:s12], $0x2800  }
0x11: {  	[sflag:s12] =	ssyncset.done $0x0  }
0x12: {  	[sflag:s12] =	ssyncadd.s32 $0xFFFFD800  }
0x13: {  	[tilespmem:s3], [sflag:$0x2] =	stream.linear.gather [hbm4b:s7+s3], $0x2780, $0x38;
	[tilespmem:$0x1D000] =	vst v63  }
0x14: {  	_ =	swait.ge [sflag:s12], $0x2780  }
0x15: {  	[sflag:s12] =	ssyncset.done $0x0  }
0x16: {  	[sflag:s12] =	ssyncadd.s32 $0xFFFFD880  }
0x17: {  	[tilespmem:s13], [sflag:$0x2] =	stream.linear.gather [hbm4b:s8+s3], $0x2780, $0x38;
	[tilespmem:$0x1D000] =	vst v63  }
0x18: {  	_ =	swait.ge [sflag:s12], $0x2780  }
0x19: {  	[sflag:s12] =	ssyncset.done $0x0  }
0x1a: {  	[sflag:s12] =	ssyncadd.s32 $0xFFFFD880  }
0x1b: {  	s18 =	simm.s32 $0x0;
	[bflag:$0x0] =	sbarrier.arrive $0xFFFF  }
0x1c: {  	[tilespmem:s15], [sflag:$0x1] =	stream.indirect.gather [hbm4b:s4+s14], $0x80, s18, s14, $0xb8;
	[tilespmem:$0x1D000] =	vst v63  }
0x1d: {  	_ =	swait.ge [sflag:s16], $0x4000  }
0x1e: {  	[sflag:s16] =	ssyncset.done $0x0  }
0x1f: {  	s31 =	simm.s32 $0x2800;
	[sflag:s16] =	ssyncadd.s32 $0xFFFFC000  }
0x20: {  	[spmem:s2] =	stream.indirect.scatter.add.f32 [tilespmem:s15], [sflag:$0x2], $0x80, s31, s14, $0xb8;
	[tilespmem:$0x1D000] =	vst v63  }
0x21: {  	_ =	swait.ge [sflag:s12], $0x4000  }
0x22: {  	s19 =	simm.s32 $0x400;
	s18 =	simm.s32 $0x200;
	[sflag:s12] =	ssyncset.done $0x0  }
.LBB2_2:
0x23: {  	s20 =	sshra.s32 s18, $0x2  }
0x24: {  	[sflag:s12] =	ssyncadd.s32 $0xFFFFC000;
	s18 =	smov.u32 s19;
	s21 =	sadd.s32 $0x200, s19  }
0x25: {  	[tilespmem:s15], [sflag:$0x1] =	stream.indirect.gather [hbm4b:s4+s14], $0x80, s20, s14, $0xb8;
	[tilespmem:$0x1D000] =	vst v63  }
0x26: {  	p0 =	sne.s32 s19, $0x9C00;
	_ =	swait.ge [sflag:s16], $0x4000  }
.Ltmp0:
0x27: {  	[sflag:s16] =	ssyncset.done $0x0;
	(pc) =	sbr.rel @p0 .LBB2_2-.Ltmp0, $4  }
0x28: {  	s19 =	sadd.s32 $0x2800, s20;
	[sflag:s16] =	ssyncadd.s32 $0xFFFFC000  }
0x29: {  	[spmem:s2] =	stream.indirect.scatter.add.f32 [tilespmem:s15], [sflag:$0x2], $0x80, s19, s14, $0xb8;
	[tilespmem:$0x1D000] =	vst v63  }
0x2a: {  	_ =	swait.ge [sflag:s12], $0x4000  }
0x2b: {  	s19 =	smov.u32 s21;
	[sflag:s12] =	ssyncset.done $0x0  }
0x2c: {  	s18 =	sshra.s32 s18, $0x2;
	[sflag:s12] =	ssyncadd.s32 $0xFFFFC000  }
0x2d: {  	[tilespmem:s15], [sflag:$0x1] =	stream.indirect.gather [hbm4b:s4+s14], $0x80, s18, s14, $0xb8;
	[tilespmem:$0x1D000] =	vst v63  }
0x2e: {  	_ =	swait.ge [sflag:s16], $0x4000  }
0x2f: {  	[sflag:s16] =	ssyncset.done $0x0  }
0x30: {  	s18 =	sadd.s32 $0x2800, s18;
	[sflag:s16] =	ssyncadd.s32 $0xFFFFC000  }
0x31: {  	[spmem:s2] =	stream.indirect.scatter.add.f32 [tilespmem:s15], [sflag:$0x2], $0x80, s18, s14, $0xb8;
	[tilespmem:$0x1D000] =	vst v63  }
0x32: {  	_ =	swait.ge [sflag:s12], $0x4000  }
0x33: {  	s17 =	sadd.s32 $0x1, s17;
	[sflag:s12] =	ssyncset.done $0x0  }
0x34: {  	p0 =	sne.s32 s17, s10;
	[sflag:s12] =	ssyncadd.s32 $0xFFFFC000  }
.Ltmp1:
0x35: {  	[bflag:$0x0] =	sbarrier.arrive $0xFFFF;
	(pc) =	sbr.rel @p0 .LBB2_1-.Ltmp1, $4  }
0x36: {  	[hbm:s9], [sflag:s6] =	dma.local [spmem:s11], $0x2800  }
0x37: {  	_ =	swait.ge [sflag:s12], $0x2800  }
0x38: {  	[sflag:s12] =	ssyncset.done $0x0  }
0x39: {  	[sflag:s12] =	ssyncadd.s32 $0xFFFFD800  }
0x3a: {  	_ =	sfence.sel $0x180000  }
0x3b: {  	[bflag:$0x0] =	sbarrier.arrive $0xFFFF  }
0x3c: {  	p0 =	sne.s32 s0, $0x0;
	_ =	strace $0x9000004D  }
0x3d: {  	s0 =	sadd.s32 @!p0 $0x100000, s1;
	[bflag:$0x2] =	sbarrier.arrive $0xFFFF  }
0x3e: {  	[sflag:s0] =	ssyncadd.tile.s32 @!p0 $0x1;
	_ =	shalt  }
.Lfunc_end2:
_tile_overlayer_lowered:
.L_overlay_start_2:
0x3f: {  	(tag) =	ssettag $0x2  }
0x40: {  	s0 =	rddreg [dreg:$0x0];
	s2 =	stileid.u32  }
0x41: {  	s1 =	rddreg [dreg:$0x1];
	p0 =	sne.s32 s2, $0x0  }
0x42: {  	s3 =	rddreg [dreg:$0x2];
	[bflag:$0x3] =	sbarrier.arrive $0xFFFF;
	s2 =	simm.s32 @!p0 $0x1C02  }
0x43: {  	[timem:s3], [sflag:s2] =	dma.local @!p0 [hbm:s0], s1  }
0x44: {  	s0 =	simm.s32 @!p0 $0x2  }
0x45: {  	_ =	swait.ge @!p0 [sflag:s0], s1  }
0x46: {  	s1 =	ssub.s32 @!p0 $0x0, s1;
	[sflag:s0] =	ssyncset.done @!p0 $0x0  }
0x47: {  	[sflag:s0] =	ssyncadd.s32 @!p0 s1  }
0x48: {  	[bflag:$0x3] =	sbarrier.arrive $0xFFFF  }
0x49: {  	_ =	shalt  }

// kernel: kernel.20.cloned.1.call-start
scs
__scs_entry_jumppad:
0x0: {  	(pc) =	sbr.rel $0x88, $3  }
0x1: {  	(tag) =	ssettag $0x0;
	lr =	simm.s32 $0x1  }
0x2: {  	[smem:$0x3F99] =	sst lr;
	_ =	strace $0xD0000000  }
0x3: {  	_ = 	snop  }
0x4: {  	_ = 	snop  }
0x5: {  	_ = 	snop  }
0x6: {  	_ = 	snop  }
0x7: {  	_ = 	snop  }
__scs_overlays_trampoline_lowered:
0x8: {  	[smem:$0x3FA8] =	sst s0  }
0x9: {  	[smem:$0x3FA9] =	sst s1  }
0xa: {  	[smem:$0x3FAA] =	sst s2  }
0xb: {  	[smem:$0x3FAB] =	sst s3  }
0xc: {  	[smem:$0x3FAC] =	sst s4  }
0xd: {  	[smem:$0x3FAD] =	sst s5  }
0xe: {  	[smem:$0x3FAE] =	sst s6  }
0xf: {  	[smem:$0x3FAF] =	sst s7  }
0x10: {  	[smem:$0x3FB0] =	sst s8  }
0x11: {  	[smem:$0x3FB1] =	sst s9;
	s0 =	simm.s32 @!p0 $0x0  }
0x12: {  	s1 =	sld [smem:$0x3F97];
	s0 =	simm.s32 @p0 $0x1  }
0x13: {  	[smem:$0x3FB2] =	sst s0;
	s0 =	simm.s32 @!p1 $0x0  }
0x14: {  	s2 =	sld [smem:$0x3F96];
	s0 =	simm.s32 @p1 $0x1  }
0x15: {  	[smem:$0x3FB3] =	sst s0;
	s0 =	simm.s32 @!p2 $0x0  }
0x16: {  	s3 =	sld [smem:$0x3FDB];
	s0 =	simm.s32 @p2 $0x1  }
0x17: {  	s4 =	simm.s32 $0x1BF5;
	[smem:$0x3FB5] =	sst s0  }
0x18: {  	s0 =	sld [smem:$0x3F98];
	_ =	swait.ge [sflag:s4], $0x0  }
0x19: {  	s7 =	sld [smem:$0x3F99]  }
0x1a: {  	s8 =	sadd.s32 $0xFFFFE003, lr  }
0x1b: {  	s9 =	sadd.s32 $0xFFFFFEF7, lr;
	s5 =	simm.s32 $0xFFFFFFFF;
	p2 =	slt.u32 s8, $0xFFFFF086  }
0x1c: {  	p1 =	slt.u32 s9, $0xF7A;
	s5 =	simm.s32 @!p2 $0x0  }
0x1d: {  	s5 =	simm.s32 @p1 $0x1;
	p0 =	seq.s32 s7, s2  }
0x1e: {  	s7 =	smul.u32 @!p0 $0xF7A, s2;
	p2 =	seq.s32 @!p0 s5, $0x0  }
0x1f: {  	s9 =	smul.u32 $0xF7A, s1;
	s8 =	simm.s32 @!p0 $0x1BF5;
	p2 =	por !p2, p0  }
0x20: {  	[sflag:s8] =	ssyncset.s32 @!p0 $0xFFFFF086;
	s6 =	sadd.s32 @!p0 s3, s7;
	s7 =	simm.s32 @!p0 $0x108  }
0x21: {  	s3 =	sadd.s32 s3, s9;
	s6 =	sadd.s32 @!p0 $0x88, s6;
	s7 =	simm.s32 @p2 $0x1082  }
0x22: {  	[simem:s7], [sflag:s8] =	dma.local @!p0 [hbm:s6], $0xF7A  }
0x23: {  	s9 =	sor.u32 $0xD0000000, s2;
	s6 =	simm.s32 $0x108;
	_ =	swait.ge @!p0 [sflag:s8], $0x0  }
0x24: {  	s3 =	sadd.s32 $0x88, s3;
	s6 =	simm.s32 @!p1 $0x1082;
	[sflag:s4] =	ssyncset.s32 $0xFFFFF086  }
0x25: {  	[simem:s6], [sflag:s4] =	dma.local [hbm:s3], $0xF7A  }
0x26: {  	[smem:$0x3F99] =	sst s1;
	(tag) =	ssettag s2;
	_ =	strace s9  }
0x27: {  	s1 =	sld [smem:$0x3FA9]  }
0x28: {  	s2 =	sld [smem:$0x3FAA]  }
0x29: {  	s4 =	sld [smem:$0x3FAC]  }
0x2a: {  	p0 =	seq.s32 s5, $0x0;
	s5 =	sld [smem:$0x3FAD]  }
0x2b: {  	s6 =	sld [smem:$0x3FAE]  }
0x2c: {  	s7 =	sld [smem:$0x3FAF]  }
0x2d: {  	s3 =	simm.s32 $0x108;
	s8 =	sld [smem:$0x3FB0]  }
0x2e: {  	s3 =	simm.s32 @!p0 $0x1082;
	s9 =	sld [smem:$0x3FB1]  }
0x2f: {  	lr =	sadd.s32 s0, s3;
	s0 =	sld [smem:$0x3FA8]  }
0x30: {  	s3 =	sld [smem:$0x3FAB]  }
0x31: {  	[smem:$0x3FB4] =	sst s10  }
0x32: {  	s10 =	sld [smem:$0x3FB2];
	_ =	sdelay $0x3  }
0x33: {  	p0 =	seq.s32 s10, $0x1;
	s10 =	sld [smem:$0x3FB4];
	_ =	sdelay $0x3  }
0x34: {  	[smem:$0x3FB4] =	sst s10  }
0x35: {  	s10 =	sld [smem:$0x3FB3];
	_ =	sdelay $0x3  }
0x36: {  	p1 =	seq.s32 s10, $0x1;
	s10 =	sld [smem:$0x3FB4];
	_ =	sdelay $0x3  }
0x37: {  	[smem:$0x3FB4] =	sst s10  }
0x38: {  	s10 =	sld [smem:$0x3FB5]  }
0x39: {  	_ = 	snop;
	(pc) =	sbr.ind lr, $3  }
0x3a: {  	_ = 	snop  }
0x3b: {  	_ = 	snop  }
0x3c: {  	p2 =	seq.s32 s10, $0x1;
	s10 =	sld [smem:$0x3FB4]  }
0x3d: {  	_ =	shalt  }
0x3e: {  	_ =	shalt  }
0x3f: {  	_ =	shalt  }
0x40: {  	_ =	shalt  }
0x41: {  	_ =	shalt  }
0x42: {  	_ =	shalt  }
0x43: {  	_ =	shalt  }
0x44: {  	_ =	shalt  }
0x45: {  	_ =	shalt  }
0x46: {  	_ =	shalt  }
0x47: {  	_ =	shalt  }
0x48: {  	_ =	shalt  }
0x49: {  	_ =	shalt  }
0x4a: {  	_ =	shalt  }
0x4b: {  	_ =	shalt  }
0x4c: {  	_ =	shalt  }
0x4d: {  	_ =	shalt  }
0x4e: {  	_ =	shalt  }
0x4f: {  	_ =	shalt  }
0x50: {  	_ =	shalt  }
0x51: {  	_ =	shalt  }
0x52: {  	_ =	shalt  }
0x53: {  	_ =	shalt  }
0x54: {  	_ =	shalt  }
0x55: {  	_ =	shalt  }
0x56: {  	_ =	shalt  }
0x57: {  	_ =	shalt  }
0x58: {  	_ =	shalt  }
0x59: {  	_ =	shalt  }
0x5a: {  	_ =	shalt  }
0x5b: {  	_ =	shalt  }
0x5c: {  	_ =	shalt  }
0x5d: {  	_ =	shalt  }
0x5e: {  	_ =	shalt  }
0x5f: {  	_ =	shalt  }
0x60: {  	_ =	shalt  }
0x61: {  	_ =	shalt  }
0x62: {  	_ =	shalt  }
0x63: {  	_ =	shalt  }
0x64: {  	_ =	shalt  }
0x65: {  	_ =	shalt  }
0x66: {  	_ =	shalt  }
0x67: {  	_ =	shalt  }
0x68: {  	_ =	shalt  }
0x69: {  	_ =	shalt  }
0x6a: {  	_ =	shalt  }
0x6b: {  	_ =	shalt  }
0x6c: {  	_ =	shalt  }
0x6d: {  	_ =	shalt  }
0x6e: {  	_ =	shalt  }
0x6f: {  	_ =	shalt  }
0x70: {  	_ =	shalt  }
0x71: {  	_ =	shalt  }
0x72: {  	_ =	shalt  }
0x73: {  	_ =	shalt  }
0x74: {  	_ =	shalt  }
0x75: {  	_ =	shalt  }
0x76: {  	_ =	shalt  }
0x77: {  	_ =	shalt  }
0x78: {  	_ =	shalt  }
0x79: {  	_ =	shalt  }
0x7a: {  	_ =	shalt  }
0x7b: {  	_ =	shalt  }
0x7c: {  	_ =	shalt  }
0x7d: {  	_ =	shalt  }
0x7e: {  	_ =	shalt  }
0x7f: {  	_ =	shalt  }
0x80: {  	_ =	shalt  }
0x81: {  	_ =	shalt  }
0x82: {  	_ =	shalt  }
0x83: {  	_ =	shalt  }
0x84: {  	_ =	shalt  }
0x85: {  	_ =	shalt  }
0x86: {  	_ =	shalt  }
0x87: {  	_ =	shalt  }
.Lfunc_end0:
.L_simem_size_0:
called_computation.3_lowered:
.L_overlay_start_0:
0x88: {  	s2 =	sld [smem:$0x3FD9]  }
0x89: {  	s3 =	sld [smem:$0x3FFE];
	_ =	sdelay $0x1  }
0x8a: {  	s1 =	srdreg.scid  }
0x8b: {  	s0 =	sand.u32 $0x1, s1  }
0x8c: {  	s17 =	sshll.u32 s0, $0xA;
	s2 =	sadd.s32 s3, s2  }
0x8d: {  	s2 =	sadd.s32 s2, s17  }
0x8e: {  	[smem:$0x3FC0] =	sst s2  }
0x8f: {  	_ = 	snop  }
0x90: {  	s2 =	sld [smem:$0x3FD0];
	(tm) =	ssettm $0x1  }
0x91: {  	s18 =	sld [smem:$0x3FFB];
	_ =	sdelay $0x3  }
0x92: {  	_ =	strace s18  }
0x93: {  	s3 =	sld [smem:$0x3FFC];
	_ =	sdelay $0x3  }
0x94: {  	_ =	strace s3  }
0x95: {  	s3 =	sld [smem:$0x3FFD];
	_ =	sdelay $0x3  }
0x96: {  	_ =	strace s3  }
0x97: {  	_ =	strace $0x8FFFFFFF  }
0x98: {  	s19 =	sld [smem:$0x3FDB];
	_ =	sdelay $0x1  }
0x99: {  	s4 =	simm.s32 $_scs_section_size  }
0x9a: {  	s5 =	simm.s32 $_size__tile_overlayer_lowered;
	s6 =	simm.s32 $_tile_overlayer_lowered  }
0x9b: {  	s22 =	simm.s32 $0x1BFF;
	s21 =	sshll.u32 s6, $0x1;
	s3 =	sadd.s32 s4, s19  }
0x9c: {  	s7 =	simm.s32 $0x0;
	s20 =	sshll.u32 s5, $0x1;
	s5 =	sadd.s32 s21, s3  }
0x9d: {  	[timem:s7], [sflag:s22] =	dma.local [hbm:s5], s20  }
0x9e: {  	_ =	swait.ge [sflag:s22], s20  }
0x9f: {  	s4 =	ssub.s32 $0x0, s20;
	[sflag:s22] =	ssyncset.done $0x0  }
0xa0: {  	[sflag:s22] =	ssyncadd.s32 s4;
	_ =	sdelay $0x1  }
0xa1: {  	s23 =	simm.s32 $0x1B8B  }
0xa2: {  	_ =	swait.ge [sflag:s23], $0x1  }
0xa3: {  	[sflag:s23] =	ssyncset.done $0x0  }
0xa4: {  	s25 =	simm.s32 $0x1B8E;
	s24 =	sld [smem:$0x3FFE];
	[sflag:s23] =	ssyncadd.s32 $0xFFFFFFFF  }
0xa5: {  	s26 =	simm.s32 $execute0_lowered;
	[smem:$0x3FD2] =	sst s25  }
0xa6: {  	s5 =	sshll.u32 s26, $0x1;
	_ =	strace $0x8000004F;
	[dreg:$0x1] =	wrdreg $0xFFFFFFFF  }
0xa7: {  	s28 =	simm.s32 $_size_execute0_lowered;
	s3 =	sadd.s32 s3, s5;
	[dreg:$0x0] =	wrdreg $0x0  }
0xa8: {  	s5 =	sshll.u32 s28, $0x1;
	[dreg:$0x2] =	wrdreg s3  }
0xa9: {  	[dreg:$0x3] =	wrdreg s5  }
0xaa: {  	[dreg:$0x4] =	wrdreg $0xC0  }
0xab: {  	_ =	task [dreg:s7], $0x5FFFF  }
0xac: {  	[dreg:$0x1] =	wrdreg $0xFFFFFFFF  }
0xad: {  	[dreg:$0x0] =	wrdreg $0x60  }
0xae: {  	[dreg:$0x2] =	wrdreg s24  }
0xaf: {  	[dreg:$0x3] =	wrdreg s2  }
0xb0: {  	[dreg:$0x4] =	wrdreg $0x90000  }
0xb1: {  	[dreg:$0x5] =	wrdreg $0x9  }
0xb2: {  	_ =	task.clear_ibuf [dreg:s7], $0x6FFFF;
	_ =	strace $0x9000004F  }
0xb3: {  	s29 =	simm.s32 $0x9;
	_ =	strace $0x80000051  }
0xb4: {  	_ =	swait.ge [sflag:s29], $0x1  }
0xb5: {  	[sflag:s29] =	ssyncadd.s32 $0xFFFFFFFF  }
0xb6: {  	_ =	strace $0x90000051  }
0xb7: {  	_ =	sfence  }
0xb8: {  	s30 =	sld [smem:$0x0];
	_ =	sdelay $0x2  }
0xb9: {  	s31 =	sshll.u32 s1, $0xD;
	s1 =	sshrl.u32 s1, $0x2  }
0xba: {  	s3 =	sand.u32 $0x4000, s31;
	s1 =	sadd.s32 s1, s30  }
0xbb: {  	s0 =	sor.u32 s3, s0;
	s1 =	sshll.u32 s1, $0x11  }
0xbc: {  	s0 =	sor.u32 s1, s0  }
0xbd: {  	s0 =	sadd.s32 $0x8F2B, s0  }
0xbe: {  	[sflag:s0] =	ssyncadd.remote.s32 $0x1  }
0xbf: {  	_ =	sfence.sel $0xFFFF  }
0xc0: {  	[dreg:$0x0] =	wrdreg $0xFFFFFFFF;
	(pc) =	sbr.abs _section_cstart, $3  }
0xc1: {  	[dreg:$0x1] =	wrdreg $0xFFFFFFFF  }
0xc2: {  	_ =	task.clear_ibuf [dreg:s7], $0x2FFFF;
	_ =	strace $0x9FFFFFFF  }
0xc3: {  	(tm) =	ssettm $0x7FFFFFFF  }
tec
execute0_lowered:
.L_overlay_start_1:
0x0: {  	(tag) =	ssettag $0x1  }
0x1: {  	s1 =	srdreg.scid;
	s6 =	rddreg [dreg:$0x0]  }
0x2: {  	s0 =	stileid.u32;
	s8 =	rddreg [dreg:$0x1]  }
0x3: {  	s2 =	rddreg [dreg:$0x2];
	s3 =	simm.s32 $0x0;
	s14 =	simm.s32 $0x80  }
0x4: {  	s15 =	simm.s32 $0x5000;
	s16 =	simm.s32 $0x1;
	s17 =	simm.s32 $0x0  }
0x5: {  	s7 =	sand.u32 $0x1, s1;
	s29 =	sshll.u32 s0, $0x1;
	s10 =	smul.u32 $0x14000, s0  }
0x6: {  	[smem:$0x7FF] =	sst s3;
	s4 =	sadd.s32 $0xEA00, s6;
	s12 =	smul.u32 $0x50000, s0  }
0x7: {  	s31 =	sshll.u32 s0, $0x6;
	s1 =	sor.u32 s7, s29;
	s5 =	smul.u32 $0x140000, s7  }
0x8: {  	s7 =	ssub.s32 $0x2, s7;
	s9 =	smul.u32 $0x500, s1;
	s1 =	rddreg [dreg:$0x3]  }
0x9: {  	_ =	strace $0x80000050;
	s30 =	sshrl.u32 s7, $0x1;
	s12 =	sshrl.u32 s12, $0x2  }
0xa: {  	s10 =	sadd.s32 s10, s5;
	s5 =	sadd.s32 $0xC200, s6;
	s13 =	ssub.s32 s7, s30  }
0xb: {  	s12 =	sadd.s32 s12, s2;
	s11 =	sadd.s32 s9, s6;
	s10 =	sshrl.u32 s10, $0x3  }
0xc: {  	s7 =	sadd.s32 s8, s9;
	s10 =	sadd.s32 s10, s6;
	s6 =	sor.u32 $0x1C02, s31  }
0xd: {  	s8 =	sadd.s32 $0x2200, s11;
	s11 =	sshrl.u32 s12, $0x3;
	s12 =	simm.s32 $0x2  }
0xe: {  	s9 =	sadd.s32 $0x36A00, s10;
	s10 =	smax.u32 s13, $0x1;
	s13 =	simm.s32 $0x2800  }
.LBB2_1:
0xf: {  	[spmem:s11], [sflag:s6] =	dma.local [hbm:s5], $0x2800  }
0x10: {  	_ =	swait.ge [sflag:s12], $0x2800  }
0x11: {  	[sflag:s12] =	ssyncset.done $0x0  }
0x12: {  	[sflag:s12] =	ssyncadd.s32 $0xFFFFD800  }
0x13: {  	[tilespmem:s3], [sflag:$0x2] =	stream.linear.gather [hbm4b:s7+s3], $0x2780, $0x38;
	[tilespmem:$0x1D000] =	vst v63  }
0x14: {  	_ =	swait.ge [sflag:s12], $0x2780  }
0x15: {  	[sflag:s12] =	ssyncset.done $0x0  }
0x16: {  	[sflag:s12] =	ssyncadd.s32 $0xFFFFD880  }
0x17: {  	[tilespmem:s13], [sflag:$0x2] =	stream.linear.gather [hbm4b:s8+s3], $0x2780, $0x38;
	[tilespmem:$0x1D000] =	vst v63  }
0x18: {  	_ =	swait.ge [sflag:s12], $0x2780  }
0x19: {  	[sflag:s12] =	ssyncset.done $0x0  }
0x1a: {  	[sflag:s12] =	ssyncadd.s32 $0xFFFFD880  }
0x1b: {  	s18 =	simm.s32 $0x0;
	[bflag:$0x0] =	sbarrier.arrive $0xFFFF  }
0x1c: {  	[tilespmem:s15], [sflag:$0x1] =	stream.indirect.gather [hbm4b:s4+s14], $0x80, s18, s14, $0xb8;
	[tilespmem:$0x1D000] =	vst v63  }
0x1d: {  	_ =	swait.ge [sflag:s16], $0x4000  }
0x1e: {  	[sflag:s16] =	ssyncset.done $0x0  }
0x1f: {  	s31 =	simm.s32 $0x2800;
	[sflag:s16] =	ssyncadd.s32 $0xFFFFC000  }
0x20: {  	[spmem:s2] =	stream.indirect.scatter.add.f32 [tilespmem:s15], [sflag:$0x2], $0x80, s31, s14, $0xb8;
	[tilespmem:$0x1D000] =	vst v63  }
0x21: {  	_ =	swait.ge [sflag:s12], $0x4000  }
0x22: {  	s19 =	simm.s32 $0x400;
	s18 =	simm.s32 $0x200;
	[sflag:s12] =	ssyncset.done $0x0  }
.LBB2_2:
0x23: {  	s20 =	sshra.s32 s18, $0x2  }
0x24: {  	[sflag:s12] =	ssyncadd.s32 $0xFFFFC000;
	s18 =	smov.u32 s19;
	s21 =	sadd.s32 $0x200, s19  }
0x25: {  	[tilespmem:s15], [sflag:$0x1] =	stream.indirect.gather [hbm4b:s4+s14], $0x80, s20, s14, $0xb8;
	[tilespmem:$0x1D000] =	vst v63  }
0x26: {  	p0 =	sne.s32 s19, $0x9C00;
	_ =	swait.ge [sflag:s16], $0x4000  }
.Ltmp0:
0x27: {  	[sflag:s16] =	ssyncset.done $0x0;
	(pc) =	sbr.rel @p0 .LBB2_2-.Ltmp0, $4  }
0x28: {  	s19 =	sadd.s32 $0x2800, s20;
	[sflag:s16] =	ssyncadd.s32 $0xFFFFC000  }
0x29: {  	[spmem:s2] =	stream.indirect.scatter.add.f32 [tilespmem:s15], [sflag:$0x2], $0x80, s19, s14, $0xb8;
	[tilespmem:$0x1D000] =	vst v63  }
0x2a: {  	_ =	swait.ge [sflag:s12], $0x4000  }
0x2b: {  	s19 =	smov.u32 s21;
	[sflag:s12] =	ssyncset.done $0x0  }
0x2c: {  	s18 =	sshra.s32 s18, $0x2;
	[sflag:s12] =	ssyncadd.s32 $0xFFFFC000  }
0x2d: {  	[tilespmem:s15], [sflag:$0x1] =	stream.indirect.gather [hbm4b:s4+s14], $0x80, s18, s14, $0xb8;
	[tilespmem:$0x1D000] =	vst v63  }
0x2e: {  	_ =	swait.ge [sflag:s16], $0x4000  }
0x2f: {  	[sflag:s16] =	ssyncset.done $0x0  }
0x30: {  	s18 =	sadd.s32 $0x2800, s18;
	[sflag:s16] =	ssyncadd.s32 $0xFFFFC000  }
0x31: {  	[spmem:s2] =	stream.indirect.scatter.add.f32 [tilespmem:s15], [sflag:$0x2], $0x80, s18, s14, $0xb8;
	[tilespmem:$0x1D000] =	vst v63  }
0x32: {  	_ =	swait.ge [sflag:s12], $0x4000  }
0x33: {  	s17 =	sadd.s32 $0x1, s17;
	[sflag:s12] =	ssyncset.done $0x0  }
0x34: {  	p0 =	sne.s32 s17, s10;
	[sflag:s12] =	ssyncadd.s32 $0xFFFFC000  }
.Ltmp1:
0x35: {  	[bflag:$0x0] =	sbarrier.arrive $0xFFFF;
	(pc) =	sbr.rel @p0 .LBB2_1-.Ltmp1, $4  }
0x36: {  	[hbm:s9], [sflag:s6] =	dma.local [spmem:s11], $0x2800  }
0x37: {  	_ =	swait.ge [sflag:s12], $0x2800  }
0x38: {  	[sflag:s12] =	ssyncset.done $0x0  }
0x39: {  	[sflag:s12] =	ssyncadd.s32 $0xFFFFD800  }
0x3a: {  	_ =	sfence.sel $0x180000  }
0x3b: {  	[bflag:$0x0] =	sbarrier.arrive $0xFFFF  }
0x3c: {  	p0 =	sne.s32 s0, $0x0;
	_ =	strace $0x90000050  }
0x3d: {  	s0 =	sadd.s32 @!p0 $0x100000, s1;
	[bflag:$0x2] =	sbarrier.arrive $0xFFFF  }
0x3e: {  	[sflag:s0] =	ssyncadd.tile.s32 @!p0 $0x1;
	_ =	shalt  }
.Lfunc_end2:
_tile_overlayer_lowered:
.L_overlay_start_2:
0x3f: {  	(tag) =	ssettag $0x2  }
0x40: {  	s0 =	rddreg [dreg:$0x0];
	s2 =	stileid.u32  }
0x41: {  	s1 =	rddreg [dreg:$0x1];
	p0 =	sne.s32 s2, $0x0  }
0x42: {  	s3 =	rddreg [dreg:$0x2];
	[bflag:$0x3] =	sbarrier.arrive $0xFFFF;
	s2 =	simm.s32 @!p0 $0x1C02  }
0x43: {  	[timem:s3], [sflag:s2] =	dma.local @!p0 [hbm:s0], s1  }
0x44: {  	s0 =	simm.s32 @!p0 $0x2  }
0x45: {  	_ =	swait.ge @!p0 [sflag:s0], s1  }
0x46: {  	s1 =	ssub.s32 @!p0 $0x0, s1;
	[sflag:s0] =	ssyncset.done @!p0 $0x0  }
0x47: {  	[sflag:s0] =	ssyncadd.s32 @!p0 s1  }
0x48: {  	[bflag:$0x3] =	sbarrier.arrive $0xFFFF  }
0x49: {  	_ =	shalt  }

</sc_bundles>
